<compile_context>
chip_gen: v7x
topology: tpu7x:2x2x1
jax: 0.10.2.dev20260603
libtpu: 0.0.44.dev20260713+nightly
codegen_flags: <defaults>
</compile_context>

<pallas_src>
import functools

import jax
import jax.numpy as jnp
from jax import lax
from jax.experimental import pallas as pl
from jax.experimental.pallas import tpu as pltpu
from jax.experimental.pallas import tpu_sc as plsc

N = 10000
E = 320000
D = 128
G = 64
NC = 2
NS = 16
NW = NC * NS
CHUNK = 125
NCHUNK = 80
EPW = NCHUNK * CHUNK
EPAD = NW * EPW
RPW = 632
NPAD = NS * RPW


@functools.cache
def _build_sc_propagate():
    mesh = plsc.VectorSubcoreMesh(core_axis_name="c", subcore_axis_name="s")

    @functools.partial(
        pl.kernel,
        out_type=jax.ShapeDtypeStruct((NC, NPAD, D), jnp.float32),
        mesh=mesh,
        scratch_types=[
            pltpu.VMEM((NCHUNK, CHUNK), jnp.int32),
            pltpu.VMEM((NCHUNK, CHUNK), jnp.int32),
            pltpu.VMEM((CHUNK, D), jnp.float32),
            pltpu.VMEM_SHARED((NPAD, D), jnp.float32),
        ],
    )
    def sc_propagate(m_hbm, src_hbm, dst_hbm, zeros_hbm, out_hbm,
                     src_v, dst_v, rows_v, acc):
        c = lax.axis_index("c")
        s = lax.axis_index("s")
        wid = c * NS + s

        pltpu.sync_copy(zeros_hbm, acc.at[pl.ds(s * RPW, RPW)])
        pltpu.sync_copy(src_hbm.at[wid], src_v)
        pltpu.sync_copy(dst_hbm.at[wid], dst_v)
        plsc.subcore_barrier()

        @pl.loop(0, NCHUNK)
        def _(j):
            pltpu.sync_copy(m_hbm.at[src_v.at[j]], rows_v)
            pltpu.sync_copy(rows_v, acc.at[dst_v.at[j]], add=True)

        plsc.subcore_barrier()
        pltpu.sync_copy(acc.at[pl.ds(s * RPW, RPW)],
                        out_hbm.at[c].at[pl.ds(s * RPW, RPW)])

    return sc_propagate


def _sc_propagate(m, src, dst, zeros):
    return _build_sc_propagate()(m, src, dst, zeros)


ROWS_BLK = 2000


def _mm_body(h_ref, w_ref, o_ref):
    o_ref[...] = jnp.dot(h_ref[...], w_ref[...],
                         preferred_element_type=jnp.float32)


_mm = pl.pallas_call(
    _mm_body,
    grid=(N // ROWS_BLK,),
    in_specs=[
        pl.BlockSpec((ROWS_BLK, D), lambda i: (i, 0)),
        pl.BlockSpec((D, D), lambda i: (0, 0)),
    ],
    out_specs=pl.BlockSpec((ROWS_BLK, D), lambda i: (i, 0)),
    out_shape=jax.ShapeDtypeStruct((N, D), jnp.float32),
)


def _gru_body(a_ref, h_ref, wihT_ref, whhT_ref, bih_ref, bhh_ref, o_ref):
    a = a_ref[0] + a_ref[1]
    h = h_ref[...]
    gi = jnp.dot(a, wihT_ref[...], preferred_element_type=jnp.float32)
    gi = gi + bih_ref[...]
    gh = jnp.dot(h, whhT_ref[...], preferred_element_type=jnp.float32)
    gh = gh + bhh_ref[...]
    i_r, i_z, i_n = gi[:, :D], gi[:, D:2 * D], gi[:, 2 * D:]
    h_r, h_z, h_n = gh[:, :D], gh[:, D:2 * D], gh[:, 2 * D:]
    r = jax.nn.sigmoid(i_r + h_r)
    z = jax.nn.sigmoid(i_z + h_z)
    n = jnp.tanh(i_n + r * h_n)
    o_ref[...] = (1.0 - z) * n + z * h


_gru = pl.pallas_call(
    _gru_body,
    grid=(N // ROWS_BLK,),
    in_specs=[
        pl.BlockSpec((NC, ROWS_BLK, D), lambda i: (0, i, 0)),
        pl.BlockSpec((ROWS_BLK, D), lambda i: (i, 0)),
        pl.BlockSpec((D, 3 * D), lambda i: (0, 0)),
        pl.BlockSpec((D, 3 * D), lambda i: (0, 0)),
        pl.BlockSpec((1, 3 * D), lambda i: (0, 0)),
        pl.BlockSpec((1, 3 * D), lambda i: (0, 0)),
    ],
    out_specs=pl.BlockSpec((ROWS_BLK, D), lambda i: (i, 0)),
    out_shape=jax.ShapeDtypeStruct((N, D), jnp.float32),
)


def _final_body(h_ref, batch_ref, fc1T_ref, fc1b_ref, fc2Tp_ref, fc2bp_ref,
                o_ref):
    h = jax.nn.relu(h_ref[...])
    b = batch_ref[...]
    gids = lax.broadcasted_iota(jnp.int32, (1, G), 1).astype(jnp.float32)
    oh = (b == gids).astype(jnp.float32)
    sums = jax.lax.dot_general(oh, h, (((0,), (0,)), ((), ())),
                               preferred_element_type=jnp.float32)
    counts = jnp.sum(oh, axis=0)[:, None]
    pooled = sums / jnp.maximum(counts, 1.0)
    t = jax.nn.relu(
        jnp.dot(pooled, fc1T_ref[...], preferred_element_type=jnp.float32)
        + fc1b_ref[...])
    logits = jnp.dot(t, fc2Tp_ref[...], preferred_element_type=jnp.float32)
    logits = logits + fc2bp_ref[...]
    valid = lax.broadcasted_iota(jnp.int32, (G, D), 1) < 6
    neg = jnp.float32(-1e30)
    mx = jnp.max(jnp.where(valid, logits, neg), axis=1, keepdims=True)
    ex = jnp.where(valid, jnp.exp(logits - mx), 0.0)
    lse = jnp.log(jnp.sum(ex, axis=1, keepdims=True))
    o_ref[...] = logits - mx - lse


_final = pl.pallas_call(
    _final_body,
    in_specs=[
        pl.BlockSpec((N, D), lambda: (0, 0)),
        pl.BlockSpec((N, 1), lambda: (0, 0)),
        pl.BlockSpec((D, G), lambda: (0, 0)),
        pl.BlockSpec((1, G), lambda: (0, 0)),
        pl.BlockSpec((G, D), lambda: (0, 0)),
        pl.BlockSpec((1, D), lambda: (0, 0)),
    ],
    out_specs=pl.BlockSpec((G, D), lambda: (0, 0)),
    out_shape=jax.ShapeDtypeStruct((G, D), jnp.float32),
)


def kernel(x, edge_index, batch, Wg, W_ih, W_hh, b_ih, b_hh,
           fc1_w, fc1_b, fc2_w, fc2_b):
    src = edge_index[0].astype(jnp.int32).reshape(NW, NCHUNK, CHUNK)
    dst = edge_index[1].astype(jnp.int32).reshape(NW, NCHUNK, CHUNK)
    zeros = jnp.zeros((RPW, D), jnp.float32)
    wihT = W_ih.T
    whhT = W_hh.T
    bih = b_ih.reshape(1, 3 * D)
    bhh = b_hh.reshape(1, 3 * D)
    batchf = batch.astype(jnp.float32).reshape(N, 1)
    fc1T = fc1_w.T
    fc1b = fc1_b.reshape(1, G)
    fc2Tp = jnp.zeros((G, D), jnp.float32).at[:, :6].set(fc2_w.T)
    fc2bp = jnp.zeros((1, D), jnp.float32).at[:, :6].set(fc2_b)

    h = x
    for i in range(2):
        m = _mm(h, Wg[i])
        parts = _sc_propagate(m, src, dst, zeros)
        h = _gru(parts, h, wihT, whhT, bih, bhh)
    out = _final(h, batchf, fc1T, fc1b, fc2Tp, fc2bp)
    return out[:, :6]

# --- scband reference (transcript-rebuilt; emitter-appended) ---
"""Pipeline reference for scband-ggnn1-74569222193909 (READ-ONLY COPY).

The authoritative reference and input builder live on the scoring server;
editing this copy changes nothing except your own understanding.
"""

import jax, jax.numpy as jnp
import numpy as np

N_NODES = 10000
N_EDGES = 320000
D1 = 128
D2 = 64
NUM_CLASSES = 6
NUM_LAYERS = 2
NUM_GRAPHS = 64


def setup_inputs(seed: int = 0) -> dict:
    key = jax.random.key(seed)
    ks = jax.random.split(key, 12)
    x = jax.random.normal(ks[0], (N_NODES, D1), dtype=jnp.float32)
    edge_index = jax.random.randint(ks[1], (2, N_EDGES), 0, N_NODES, dtype=jnp.int64)
    batch = jnp.sort(jax.random.randint(ks[2], (N_NODES,), 0, NUM_GRAPHS, dtype=jnp.int64))
    s = 1.0 / np.sqrt(D1)
    Wg = jax.random.uniform(ks[3], (NUM_LAYERS, D1, D1), dtype=jnp.float32, minval=-s, maxval=s)
    W_ih = jax.random.uniform(ks[4], (3 * D1, D1), dtype=jnp.float32, minval=-s, maxval=s)
    W_hh = jax.random.uniform(ks[5], (3 * D1, D1), dtype=jnp.float32, minval=-s, maxval=s)
    b_ih = jax.random.uniform(ks[6], (3 * D1,), dtype=jnp.float32, minval=-s, maxval=s)
    b_hh = jax.random.uniform(ks[7], (3 * D1,), dtype=jnp.float32, minval=-s, maxval=s)
    s1 = 1.0 / np.sqrt(D1)
    fc1_w = jax.random.uniform(ks[8], (D2, D1), dtype=jnp.float32, minval=-s1, maxval=s1)
    fc1_b = jax.random.uniform(ks[9], (D2,), dtype=jnp.float32, minval=-s1, maxval=s1)
    s2 = 1.0 / np.sqrt(D2)
    fc2_w = jax.random.uniform(ks[10], (NUM_CLASSES, D2), dtype=jnp.float32, minval=-s2, maxval=s2)
    fc2_b = jax.random.uniform(ks[11], (NUM_CLASSES,), dtype=jnp.float32, minval=-s2, maxval=s2)
    return {"x": x, "edge_index": edge_index, "batch": batch, "Wg": Wg,
            "W_ih": W_ih, "W_hh": W_hh, "b_ih": b_ih, "b_hh": b_hh,
            "fc1_w": fc1_w, "fc1_b": fc1_b, "fc2_w": fc2_w, "fc2_b": fc2_b}


def _gru_cell(m, h, W_ih, W_hh, b_ih, b_hh):
    gi = m @ W_ih.T + b_ih
    gh = h @ W_hh.T + b_hh
    i_r, i_z, i_n = jnp.split(gi, 3, axis=1)
    h_r, h_z, h_n = jnp.split(gh, 3, axis=1)
    r = jax.nn.sigmoid(i_r + h_r)
    z = jax.nn.sigmoid(i_z + h_z)
    n = jnp.tanh(i_n + r * h_n)
    return (1.0 - z) * n + z * h


def reference(x, edge_index, batch, Wg, W_ih, W_hh, b_ih, b_hh, fc1_w, fc1_b, fc2_w, fc2_b):
    src = edge_index[0]
    dst = edge_index[1]
    h = x  # in_channels == out_channels, no padding needed
    for i in range(NUM_LAYERS):
        m = h @ Wg[i]
        msg = jnp.take(m, src, axis=0)
        agg = jax.ops.segment_sum(msg, dst, num_segments=N_NODES)  # propagate('add', ...)
        h = _gru_cell(agg, h, W_ih, W_hh, b_ih, b_hh)
    h = jax.nn.relu(h)
    # dropout is identity in eval mode
    sums = jax.ops.segment_sum(h, batch, num_segments=NUM_GRAPHS)
    counts = jax.ops.segment_sum(jnp.ones((N_NODES,), dtype=jnp.float32), batch, num_segments=NUM_GRAPHS)
    pooled = sums / jnp.clip(counts, 1.0)[:, None]
    out = jax.nn.relu(pooled @ fc1_w.T + fc1_b)
    out = out @ fc2_w.T + fc2_b
    return jax.nn.log_softmax(out, axis=1)


if False:  # reference __main__ guard neutralized (emitter)
    inp = setup_inputs()
    y = reference(**inp)
    print(y.shape)

if __name__ == "__main__":
    import jax
    _d = setup_inputs()
    print(jax.jit(kernel)(*tuple(_d.values())))

</pallas_src>

<mosaic_0001>
#map = affine_map<(d0, d1) -> (0, 0)>
#map1 = affine_map<(d0, d1) -> (0, 0, 0)>
module attributes {stable_mosaic.version = 14 : i64} {
  func.func @sc_propagate(%arg0: i32, %arg1: i32, %arg2: memref<10000x128xf32, #tpu.memory_space<hbm>>, %arg3: memref<32x80x125xi32, #tpu.memory_space<hbm>>, %arg4: memref<32x80x125xi32, #tpu.memory_space<hbm>>, %arg5: memref<632x128xf32, #tpu.memory_space<hbm>>, %arg6: memref<2x10112x128xf32, #tpu.memory_space<hbm>>, %arg7: memref<80x125xi32, #tpu.memory_space<vmem>>, %arg8: memref<80x125xi32, #tpu.memory_space<vmem>>, %arg9: memref<125x128xf32, #tpu.memory_space<vmem>>, %arg10: memref<10112x128xf32, #tpu.memory_space<vmem_shared>>) attributes {dimension_semantics = [#tpu.dimension_semantics<core_parallel>, #tpu.dimension_semantics<subcore_parallel>], iteration_bounds = array<i64: 2, 16>, scalar_prefetch = 0 : i64, scratch_operands = 4 : i64, tpu.core_type = #tpu.core_type<sc_vector_subcore>, window_params = [{transform_indices = #map}, {transform_indices = #map1}, {transform_indices = #map1}, {transform_indices = #map}, {transform_indices = #map1}]} {
    %mul3A = arith.constant 16 : i32
    %mul3A_0 = arith.muli %arg0, %mul3A : i32
    %add3A = arith.addi %mul3A_0, %arg1 : i32
    %mul3A_1 = arith.constant 632 : i32
    %mul3A_2 = arith.muli %arg1, %mul3A_1 : i32
    "tpu.region"() ({
      %run_scoped3A = tpu.sem_alloc : memref<!tpu.dma_semaphore, #tpu.memory_space<semaphore_mem>>
      %dma_start3A = arith.constant 0 : i32
      %dma_start3A_12 = tpu.memref_slice %arg10[%mul3A_2, %dma_start3A] : memref<10112x128xf32, #tpu.memory_space<vmem_shared>> -> memref<632x128xf32, #tpu.memory_space<vmem_shared>>
      tpu.enqueue_dma source(%arg5 : memref<632x128xf32, #tpu.memory_space<hbm>>) target(%dma_start3A_12 : memref<632x128xf32, #tpu.memory_space<vmem_shared>>) target_semaphore(%run_scoped3A : memref<!tpu.dma_semaphore, #tpu.memory_space<semaphore_mem>>)
      %dma_wait3A = arith.constant 0 : i32
      %dma_wait3A_13 = tpu.memref_slice %arg10[%mul3A_2, %dma_wait3A] : memref<10112x128xf32, #tpu.memory_space<vmem_shared>> -> memref<632x128xf32, #tpu.memory_space<vmem_shared>>
      tpu.wait_dma2 semaphore(%run_scoped3A : memref<!tpu.dma_semaphore, #tpu.memory_space<semaphore_mem>>) src(%arg5 : memref<632x128xf32, #tpu.memory_space<hbm>>) dst(%dma_wait3A_13 : memref<632x128xf32, #tpu.memory_space<vmem_shared>>)
      tpu.yield
    }) : () -> ()
    "tpu.region"() ({
      %run_scoped3A = tpu.sem_alloc : memref<!tpu.dma_semaphore, #tpu.memory_space<semaphore_mem>>
      %dma_start3A = arith.constant 0 : i32
      %dma_start3A_12 = arith.constant 0 : i32
      %dma_start3A_13 = tpu.memref_slice %arg3[%add3A, %dma_start3A, %dma_start3A_12] : memref<32x80x125xi32, #tpu.memory_space<hbm>> -> memref<1x80x125xi32, #tpu.memory_space<hbm>>
      %dma_start3A_14 = tpu.memref_squeeze %dma_start3A_13 : memref<1x80x125xi32, #tpu.memory_space<hbm>> -> memref<80x125xi32, #tpu.memory_space<hbm>>
      %dma_start3A_15 = arith.constant 0 : i32
      %dma_start3A_16 = arith.constant 0 : i32
      %dma_start3A_17 = tpu.memref_slice %arg3[%add3A, %dma_start3A_15, %dma_start3A_16] : memref<32x80x125xi32, #tpu.memory_space<hbm>> -> memref<1x80x125xi32, #tpu.memory_space<hbm>>
      %dma_start3A_18 = tpu.memref_squeeze %dma_start3A_17 : memref<1x80x125xi32, #tpu.memory_space<hbm>> -> memref<80x125xi32, #tpu.memory_space<hbm>>
      tpu.enqueue_dma source(%dma_start3A_18 : memref<80x125xi32, #tpu.memory_space<hbm>>) target(%arg7 : memref<80x125xi32, #tpu.memory_space<vmem>>) target_semaphore(%run_scoped3A : memref<!tpu.dma_semaphore, #tpu.memory_space<semaphore_mem>>)
      %dma_wait3A = arith.constant 0 : i32
      %dma_wait3A_19 = arith.constant 0 : i32
      %dma_wait3A_20 = tpu.memref_slice %arg3[%add3A, %dma_wait3A, %dma_wait3A_19] : memref<32x80x125xi32, #tpu.memory_space<hbm>> -> memref<1x80x125xi32, #tpu.memory_space<hbm>>
      %dma_wait3A_21 = tpu.memref_squeeze %dma_wait3A_20 : memref<1x80x125xi32, #tpu.memory_space<hbm>> -> memref<80x125xi32, #tpu.memory_space<hbm>>
      %dma_wait3A_22 = arith.constant 0 : i32
      %dma_wait3A_23 = arith.constant 0 : i32
      %dma_wait3A_24 = tpu.memref_slice %arg3[%add3A, %dma_wait3A_22, %dma_wait3A_23] : memref<32x80x125xi32, #tpu.memory_space<hbm>> -> memref<1x80x125xi32, #tpu.memory_space<hbm>>
      %dma_wait3A_25 = tpu.memref_squeeze %dma_wait3A_24 : memref<1x80x125xi32, #tpu.memory_space<hbm>> -> memref<80x125xi32, #tpu.memory_space<hbm>>
      tpu.wait_dma2 semaphore(%run_scoped3A : memref<!tpu.dma_semaphore, #tpu.memory_space<semaphore_mem>>) src(%dma_wait3A_25 : memref<80x125xi32, #tpu.memory_space<hbm>>) dst(%arg7 : memref<80x125xi32, #tpu.memory_space<vmem>>)
      tpu.yield
    }) : () -> ()
    "tpu.region"() ({
      %run_scoped3A = tpu.sem_alloc : memref<!tpu.dma_semaphore, #tpu.memory_space<semaphore_mem>>
      %dma_start3A = arith.constant 0 : i32
      %dma_start3A_12 = arith.constant 0 : i32
      %dma_start3A_13 = tpu.memref_slice %arg4[%add3A, %dma_start3A, %dma_start3A_12] : memref<32x80x125xi32, #tpu.memory_space<hbm>> -> memref<1x80x125xi32, #tpu.memory_space<hbm>>
      %dma_start3A_14 = tpu.memref_squeeze %dma_start3A_13 : memref<1x80x125xi32, #tpu.memory_space<hbm>> -> memref<80x125xi32, #tpu.memory_space<hbm>>
      %dma_start3A_15 = arith.constant 0 : i32
      %dma_start3A_16 = arith.constant 0 : i32
      %dma_start3A_17 = tpu.memref_slice %arg4[%add3A, %dma_start3A_15, %dma_start3A_16] : memref<32x80x125xi32, #tpu.memory_space<hbm>> -> memref<1x80x125xi32, #tpu.memory_space<hbm>>
      %dma_start3A_18 = tpu.memref_squeeze %dma_start3A_17 : memref<1x80x125xi32, #tpu.memory_space<hbm>> -> memref<80x125xi32, #tpu.memory_space<hbm>>
      tpu.enqueue_dma source(%dma_start3A_18 : memref<80x125xi32, #tpu.memory_space<hbm>>) target(%arg8 : memref<80x125xi32, #tpu.memory_space<vmem>>) target_semaphore(%run_scoped3A : memref<!tpu.dma_semaphore, #tpu.memory_space<semaphore_mem>>)
      %dma_wait3A = arith.constant 0 : i32
      %dma_wait3A_19 = arith.constant 0 : i32
      %dma_wait3A_20 = tpu.memref_slice %arg4[%add3A, %dma_wait3A, %dma_wait3A_19] : memref<32x80x125xi32, #tpu.memory_space<hbm>> -> memref<1x80x125xi32, #tpu.memory_space<hbm>>
      %dma_wait3A_21 = tpu.memref_squeeze %dma_wait3A_20 : memref<1x80x125xi32, #tpu.memory_space<hbm>> -> memref<80x125xi32, #tpu.memory_space<hbm>>
      %dma_wait3A_22 = arith.constant 0 : i32
      %dma_wait3A_23 = arith.constant 0 : i32
      %dma_wait3A_24 = tpu.memref_slice %arg4[%add3A, %dma_wait3A_22, %dma_wait3A_23] : memref<32x80x125xi32, #tpu.memory_space<hbm>> -> memref<1x80x125xi32, #tpu.memory_space<hbm>>
      %dma_wait3A_25 = tpu.memref_squeeze %dma_wait3A_24 : memref<1x80x125xi32, #tpu.memory_space<hbm>> -> memref<80x125xi32, #tpu.memory_space<hbm>>
      tpu.wait_dma2 semaphore(%run_scoped3A : memref<!tpu.dma_semaphore, #tpu.memory_space<semaphore_mem>>) src(%dma_wait3A_25 : memref<80x125xi32, #tpu.memory_space<hbm>>) dst(%arg8 : memref<80x125xi32, #tpu.memory_space<vmem>>)
      tpu.yield
    }) : () -> ()
    %barrier3A = arith.constant 0 : index
    tpu.barrier barrier_id(%barrier3A)
    %scan3A = arith.constant 0 : i32
    %scan3A_3 = arith.constant 80 : i32
    %scan3A_4 = arith.addi %scan3A, %scan3A_3 : i32
    %scan3A_5 = arith.constant 1 : i32
    scf.for %scan3A_12 = %scan3A to %scan3A_4 step %scan3A_5  : i32 {
      %mul3A_13 = arith.constant 1 : i32
      %mul3A_14 = arith.muli %scan3A_12, %mul3A_13 : i32
      %add3A_15 = arith.constant 0 : i32
      %add3A_16 = arith.addi %add3A_15, %mul3A_14 : i32
      "tpu.region"() ({
        %run_scoped3A = tpu.sem_alloc : memref<!tpu.dma_semaphore, #tpu.memory_space<semaphore_mem>>
        %dma_start3A = arith.constant 0 : i32
        %dma_start3A_17 = tpu.memref_slice %arg7[%add3A_16, %dma_start3A] : memref<80x125xi32, #tpu.memory_space<vmem>> -> memref<1x125xi32, #tpu.memory_space<vmem>>
        %dma_start3A_18 = tpu.memref_squeeze %dma_start3A_17 : memref<1x125xi32, #tpu.memory_space<vmem>> -> memref<125xi32, #tpu.memory_space<vmem>>
        %dma_start3A_19 = arith.constant 0 : i32
        %dma_start3A_20 = arith.constant 0 : i32
        %dma_start3A_21 = tpu.memref_slice %arg2[%dma_start3A_19, %dma_start3A_20] : memref<10000x128xf32, #tpu.memory_space<hbm>> -> memref<10000x128xf32, #tpu.memory_space<hbm>>
        tpu.enqueue_indirect_dma source(%dma_start3A_21 : memref<10000x128xf32, #tpu.memory_space<hbm>>) target(%arg9 : memref<125x128xf32, #tpu.memory_space<vmem>>) offsets(%dma_start3A_18 : memref<125xi32, #tpu.memory_space<vmem>>) semaphore(%run_scoped3A : memref<!tpu.dma_semaphore, #tpu.memory_space<semaphore_mem>>)
        %dma_wait3A = arith.constant 0 : i32
        %dma_wait3A_22 = tpu.memref_slice %arg7[%add3A_16, %dma_wait3A] : memref<80x125xi32, #tpu.memory_space<vmem>> -> memref<1x125xi32, #tpu.memory_space<vmem>>
        %dma_wait3A_23 = tpu.memref_squeeze %dma_wait3A_22 : memref<1x125xi32, #tpu.memory_space<vmem>> -> memref<125xi32, #tpu.memory_space<vmem>>
        %dma_wait3A_24 = arith.constant 0 : i32
        %dma_wait3A_25 = arith.constant 0 : i32
        %dma_wait3A_26 = tpu.memref_slice %arg2[%dma_wait3A_24, %dma_wait3A_25] : memref<10000x128xf32, #tpu.memory_space<hbm>> -> memref<10000x128xf32, #tpu.memory_space<hbm>>
        tpu.wait_indirect_dma semaphore(%run_scoped3A : memref<!tpu.dma_semaphore, #tpu.memory_space<semaphore_mem>>) src(%dma_wait3A_26 : memref<10000x128xf32, #tpu.memory_space<hbm>>) dst(%arg9 : memref<125x128xf32, #tpu.memory_space<vmem>>)
        tpu.yield
      }) : () -> ()
      "tpu.region"() ({
        %run_scoped3A = tpu.sem_alloc : memref<!tpu.dma_semaphore, #tpu.memory_space<semaphore_mem>>
        %dma_start3A = arith.constant 0 : i32
        %dma_start3A_17 = tpu.memref_slice %arg8[%add3A_16, %dma_start3A] : memref<80x125xi32, #tpu.memory_space<vmem>> -> memref<1x125xi32, #tpu.memory_space<vmem>>
        %dma_start3A_18 = tpu.memref_squeeze %dma_start3A_17 : memref<1x125xi32, #tpu.memory_space<vmem>> -> memref<125xi32, #tpu.memory_space<vmem>>
        %dma_start3A_19 = arith.constant 0 : i32
        %dma_start3A_20 = arith.constant 0 : i32
        %dma_start3A_21 = tpu.memref_slice %arg10[%dma_start3A_19, %dma_start3A_20] : memref<10112x128xf32, #tpu.memory_space<vmem_shared>> -> memref<10112x128xf32, #tpu.memory_space<vmem_shared>>
        tpu.enqueue_indirect_dma source(%arg9 : memref<125x128xf32, #tpu.memory_space<vmem>>) target(%dma_start3A_21 : memref<10112x128xf32, #tpu.memory_space<vmem_shared>>) offsets(%dma_start3A_18 : memref<125xi32, #tpu.memory_space<vmem>>) semaphore(%run_scoped3A : memref<!tpu.dma_semaphore, #tpu.memory_space<semaphore_mem>>) {add = true}
        %dma_wait3A = arith.constant 0 : i32
        %dma_wait3A_22 = tpu.memref_slice %arg8[%add3A_16, %dma_wait3A] : memref<80x125xi32, #tpu.memory_space<vmem>> -> memref<1x125xi32, #tpu.memory_space<vmem>>
        %dma_wait3A_23 = tpu.memref_squeeze %dma_wait3A_22 : memref<1x125xi32, #tpu.memory_space<vmem>> -> memref<125xi32, #tpu.memory_space<vmem>>
        %dma_wait3A_24 = arith.constant 0 : i32
        %dma_wait3A_25 = arith.constant 0 : i32
        %dma_wait3A_26 = tpu.memref_slice %arg10[%dma_wait3A_24, %dma_wait3A_25] : memref<10112x128xf32, #tpu.memory_space<vmem_shared>> -> memref<10112x128xf32, #tpu.memory_space<vmem_shared>>
        tpu.wait_indirect_dma semaphore(%run_scoped3A : memref<!tpu.dma_semaphore, #tpu.memory_space<semaphore_mem>>) src(%arg9 : memref<125x128xf32, #tpu.memory_space<vmem>>) dst(%dma_wait3A_26 : memref<10112x128xf32, #tpu.memory_space<vmem_shared>>)
        tpu.yield
      }) : () -> ()
    }
    %scan3A_6 = arith.constant 80 : i32
    %barrier3A_7 = arith.constant 0 : index
    tpu.barrier barrier_id(%barrier3A_7)
    %mul3A_8 = arith.constant 632 : i32
    %mul3A_9 = arith.muli %arg1, %mul3A_8 : i32
    %mul3A_10 = arith.constant 632 : i32
    %mul3A_11 = arith.muli %arg1, %mul3A_10 : i32
    "tpu.region"() ({
      %run_scoped3A = tpu.sem_alloc : memref<!tpu.dma_semaphore, #tpu.memory_space<semaphore_mem>>
      %dma_start3A = arith.constant 0 : i32
      %dma_start3A_12 = arith.constant 0 : i32
      %dma_start3A_13 = tpu.memref_slice %arg6[%arg0, %dma_start3A, %dma_start3A_12] : memref<2x10112x128xf32, #tpu.memory_space<hbm>> -> memref<1x10112x128xf32, #tpu.memory_space<hbm>>
      %dma_start3A_14 = tpu.memref_squeeze %dma_start3A_13 : memref<1x10112x128xf32, #tpu.memory_space<hbm>> -> memref<10112x128xf32, #tpu.memory_space<hbm>>
      %dma_start3A_15 = arith.constant 0 : i32
      %dma_start3A_16 = tpu.memref_slice %dma_start3A_14[%mul3A_11, %dma_start3A_15] : memref<10112x128xf32, #tpu.memory_space<hbm>> -> memref<632x128xf32, #tpu.memory_space<hbm>>
      %dma_start3A_17 = arith.constant 0 : i32
      %dma_start3A_18 = tpu.memref_slice %arg10[%mul3A_9, %dma_start3A_17] : memref<10112x128xf32, #tpu.memory_space<vmem_shared>> -> memref<632x128xf32, #tpu.memory_space<vmem_shared>>
      tpu.enqueue_dma source(%dma_start3A_18 : memref<632x128xf32, #tpu.memory_space<vmem_shared>>) target(%dma_start3A_16 : memref<632x128xf32, #tpu.memory_space<hbm>>) target_semaphore(%run_scoped3A : memref<!tpu.dma_semaphore, #tpu.memory_space<semaphore_mem>>)
      %dma_wait3A = arith.constant 0 : i32
      %dma_wait3A_19 = arith.constant 0 : i32
      %dma_wait3A_20 = tpu.memref_slice %arg6[%arg0, %dma_wait3A, %dma_wait3A_19] : memref<2x10112x128xf32, #tpu.memory_space<hbm>> -> memref<1x10112x128xf32, #tpu.memory_space<hbm>>
      %dma_wait3A_21 = tpu.memref_squeeze %dma_wait3A_20 : memref<1x10112x128xf32, #tpu.memory_space<hbm>> -> memref<10112x128xf32, #tpu.memory_space<hbm>>
      %dma_wait3A_22 = arith.constant 0 : i32
      %dma_wait3A_23 = tpu.memref_slice %dma_wait3A_21[%mul3A_11, %dma_wait3A_22] : memref<10112x128xf32, #tpu.memory_space<hbm>> -> memref<632x128xf32, #tpu.memory_space<hbm>>
      %dma_wait3A_24 = arith.constant 0 : i32
      %dma_wait3A_25 = tpu.memref_slice %arg10[%mul3A_9, %dma_wait3A_24] : memref<10112x128xf32, #tpu.memory_space<vmem_shared>> -> memref<632x128xf32, #tpu.memory_space<vmem_shared>>
      tpu.wait_dma2 semaphore(%run_scoped3A : memref<!tpu.dma_semaphore, #tpu.memory_space<semaphore_mem>>) src(%dma_wait3A_25 : memref<632x128xf32, #tpu.memory_space<vmem_shared>>) dst(%dma_wait3A_23 : memref<632x128xf32, #tpu.memory_space<hbm>>)
      tpu.yield
    }) : () -> ()
    return
  }
}

#map = affine_map<(d0, d1) -> (0, 0)>
#map1 = affine_map<(d0, d1) -> (0, 0, 0)>
module attributes {stable_mosaic.version = 14 : i64} {
  func.func @sc_propagate(%arg0: i32, %arg1: i32, %arg2: memref<10000x128xf32, #tpu.memory_space<hbm>>, %arg3: memref<32x80x125xi32, #tpu.memory_space<hbm>>, %arg4: memref<32x80x125xi32, #tpu.memory_space<hbm>>, %arg5: memref<632x128xf32, #tpu.memory_space<hbm>>, %arg6: memref<2x10112x128xf32, #tpu.memory_space<hbm>>, %arg7: memref<80x125xi32, #tpu.memory_space<vmem>>, %arg8: memref<80x125xi32, #tpu.memory_space<vmem>>, %arg9: memref<125x128xf32, #tpu.memory_space<vmem>>, %arg10: memref<10112x128xf32, #tpu.memory_space<vmem_shared>>) attributes {dimension_semantics = [#tpu.dimension_semantics<core_parallel>, #tpu.dimension_semantics<subcore_parallel>], iteration_bounds = array<i64: 2, 16>, scalar_prefetch = 0 : i64, scratch_operands = 4 : i64, tpu.core_type = #tpu.core_type<sc_vector_subcore>, window_params = [{transform_indices = #map}, {transform_indices = #map1}, {transform_indices = #map1}, {transform_indices = #map}, {transform_indices = #map1}]} {
    %mul3A = arith.constant 16 : i32
    %mul3A_0 = arith.muli %arg0, %mul3A : i32
    %add3A = arith.addi %mul3A_0, %arg1 : i32
    %mul3A_1 = arith.constant 632 : i32
    %mul3A_2 = arith.muli %arg1, %mul3A_1 : i32
    "tpu.region"() ({
      %run_scoped3A = tpu.sem_alloc : memref<!tpu.dma_semaphore, #tpu.memory_space<semaphore_mem>>
      %dma_start3A = arith.constant 0 : i32
      %dma_start3A_12 = tpu.memref_slice %arg10[%mul3A_2, %dma_start3A] : memref<10112x128xf32, #tpu.memory_space<vmem_shared>> -> memref<632x128xf32, #tpu.memory_space<vmem_shared>>
      tpu.enqueue_dma source(%arg5 : memref<632x128xf32, #tpu.memory_space<hbm>>) target(%dma_start3A_12 : memref<632x128xf32, #tpu.memory_space<vmem_shared>>) target_semaphore(%run_scoped3A : memref<!tpu.dma_semaphore, #tpu.memory_space<semaphore_mem>>)
      %dma_wait3A = arith.constant 0 : i32
      %dma_wait3A_13 = tpu.memref_slice %arg10[%mul3A_2, %dma_wait3A] : memref<10112x128xf32, #tpu.memory_space<vmem_shared>> -> memref<632x128xf32, #tpu.memory_space<vmem_shared>>
      tpu.wait_dma2 semaphore(%run_scoped3A : memref<!tpu.dma_semaphore, #tpu.memory_space<semaphore_mem>>) src(%arg5 : memref<632x128xf32, #tpu.memory_space<hbm>>) dst(%dma_wait3A_13 : memref<632x128xf32, #tpu.memory_space<vmem_shared>>)
      tpu.yield
    }) : () -> ()
    "tpu.region"() ({
      %run_scoped3A = tpu.sem_alloc : memref<!tpu.dma_semaphore, #tpu.memory_space<semaphore_mem>>
      %dma_start3A = arith.constant 0 : i32
      %dma_start3A_12 = arith.constant 0 : i32
      %dma_start3A_13 = tpu.memref_slice %arg3[%add3A, %dma_start3A, %dma_start3A_12] : memref<32x80x125xi32, #tpu.memory_space<hbm>> -> memref<1x80x125xi32, #tpu.memory_space<hbm>>
      %dma_start3A_14 = tpu.memref_squeeze %dma_start3A_13 : memref<1x80x125xi32, #tpu.memory_space<hbm>> -> memref<80x125xi32, #tpu.memory_space<hbm>>
      %dma_start3A_15 = arith.constant 0 : i32
      %dma_start3A_16 = arith.constant 0 : i32
      %dma_start3A_17 = tpu.memref_slice %arg3[%add3A, %dma_start3A_15, %dma_start3A_16] : memref<32x80x125xi32, #tpu.memory_space<hbm>> -> memref<1x80x125xi32, #tpu.memory_space<hbm>>
      %dma_start3A_18 = tpu.memref_squeeze %dma_start3A_17 : memref<1x80x125xi32, #tpu.memory_space<hbm>> -> memref<80x125xi32, #tpu.memory_space<hbm>>
      tpu.enqueue_dma source(%dma_start3A_18 : memref<80x125xi32, #tpu.memory_space<hbm>>) target(%arg7 : memref<80x125xi32, #tpu.memory_space<vmem>>) target_semaphore(%run_scoped3A : memref<!tpu.dma_semaphore, #tpu.memory_space<semaphore_mem>>)
      %dma_wait3A = arith.constant 0 : i32
      %dma_wait3A_19 = arith.constant 0 : i32
      %dma_wait3A_20 = tpu.memref_slice %arg3[%add3A, %dma_wait3A, %dma_wait3A_19] : memref<32x80x125xi32, #tpu.memory_space<hbm>> -> memref<1x80x125xi32, #tpu.memory_space<hbm>>
      %dma_wait3A_21 = tpu.memref_squeeze %dma_wait3A_20 : memref<1x80x125xi32, #tpu.memory_space<hbm>> -> memref<80x125xi32, #tpu.memory_space<hbm>>
      %dma_wait3A_22 = arith.constant 0 : i32
      %dma_wait3A_23 = arith.constant 0 : i32
      %dma_wait3A_24 = tpu.memref_slice %arg3[%add3A, %dma_wait3A_22, %dma_wait3A_23] : memref<32x80x125xi32, #tpu.memory_space<hbm>> -> memref<1x80x125xi32, #tpu.memory_space<hbm>>
      %dma_wait3A_25 = tpu.memref_squeeze %dma_wait3A_24 : memref<1x80x125xi32, #tpu.memory_space<hbm>> -> memref<80x125xi32, #tpu.memory_space<hbm>>
      tpu.wait_dma2 semaphore(%run_scoped3A : memref<!tpu.dma_semaphore, #tpu.memory_space<semaphore_mem>>) src(%dma_wait3A_25 : memref<80x125xi32, #tpu.memory_space<hbm>>) dst(%arg7 : memref<80x125xi32, #tpu.memory_space<vmem>>)
      tpu.yield
    }) : () -> ()
    "tpu.region"() ({
      %run_scoped3A = tpu.sem_alloc : memref<!tpu.dma_semaphore, #tpu.memory_space<semaphore_mem>>
      %dma_start3A = arith.constant 0 : i32
      %dma_start3A_12 = arith.constant 0 : i32
      %dma_start3A_13 = tpu.memref_slice %arg4[%add3A, %dma_start3A, %dma_start3A_12] : memref<32x80x125xi32, #tpu.memory_space<hbm>> -> memref<1x80x125xi32, #tpu.memory_space<hbm>>
      %dma_start3A_14 = tpu.memref_squeeze %dma_start3A_13 : memref<1x80x125xi32, #tpu.memory_space<hbm>> -> memref<80x125xi32, #tpu.memory_space<hbm>>
      %dma_start3A_15 = arith.constant 0 : i32
      %dma_start3A_16 = arith.constant 0 : i32
      %dma_start3A_17 = tpu.memref_slice %arg4[%add3A, %dma_start3A_15, %dma_start3A_16] : memref<32x80x125xi32, #tpu.memory_space<hbm>> -> memref<1x80x125xi32, #tpu.memory_space<hbm>>
      %dma_start3A_18 = tpu.memref_squeeze %dma_start3A_17 : memref<1x80x125xi32, #tpu.memory_space<hbm>> -> memref<80x125xi32, #tpu.memory_space<hbm>>
      tpu.enqueue_dma source(%dma_start3A_18 : memref<80x125xi32, #tpu.memory_space<hbm>>) target(%arg8 : memref<80x125xi32, #tpu.memory_space<vmem>>) target_semaphore(%run_scoped3A : memref<!tpu.dma_semaphore, #tpu.memory_space<semaphore_mem>>)
      %dma_wait3A = arith.constant 0 : i32
      %dma_wait3A_19 = arith.constant 0 : i32
      %dma_wait3A_20 = tpu.memref_slice %arg4[%add3A, %dma_wait3A, %dma_wait3A_19] : memref<32x80x125xi32, #tpu.memory_space<hbm>> -> memref<1x80x125xi32, #tpu.memory_space<hbm>>
      %dma_wait3A_21 = tpu.memref_squeeze %dma_wait3A_20 : memref<1x80x125xi32, #tpu.memory_space<hbm>> -> memref<80x125xi32, #tpu.memory_space<hbm>>
      %dma_wait3A_22 = arith.constant 0 : i32
      %dma_wait3A_23 = arith.constant 0 : i32
      %dma_wait3A_24 = tpu.memref_slice %arg4[%add3A, %dma_wait3A_22, %dma_wait3A_23] : memref<32x80x125xi32, #tpu.memory_space<hbm>> -> memref<1x80x125xi32, #tpu.memory_space<hbm>>
      %dma_wait3A_25 = tpu.memref_squeeze %dma_wait3A_24 : memref<1x80x125xi32, #tpu.memory_space<hbm>> -> memref<80x125xi32, #tpu.memory_space<hbm>>
      tpu.wait_dma2 semaphore(%run_scoped3A : memref<!tpu.dma_semaphore, #tpu.memory_space<semaphore_mem>>) src(%dma_wait3A_25 : memref<80x125xi32, #tpu.memory_space<hbm>>) dst(%arg8 : memref<80x125xi32, #tpu.memory_space<vmem>>)
      tpu.yield
    }) : () -> ()
    %barrier3A = arith.constant 0 : index
    tpu.barrier barrier_id(%barrier3A)
    %scan3A = arith.constant 0 : i32
    %scan3A_3 = arith.constant 80 : i32
    %scan3A_4 = arith.addi %scan3A, %scan3A_3 : i32
    %scan3A_5 = arith.constant 1 : i32
    scf.for %scan3A_12 = %scan3A to %scan3A_4 step %scan3A_5  : i32 {
      %mul3A_13 = arith.constant 1 : i32
      %mul3A_14 = arith.muli %scan3A_12, %mul3A_13 : i32
      %add3A_15 = arith.constant 0 : i32
      %add3A_16 = arith.addi %add3A_15, %mul3A_14 : i32
      "tpu.region"() ({
        %run_scoped3A = tpu.sem_alloc : memref<!tpu.dma_semaphore, #tpu.memory_space<semaphore_mem>>
        %dma_start3A = arith.constant 0 : i32
        %dma_start3A_17 = tpu.memref_slice %arg7[%add3A_16, %dma_start3A] : memref<80x125xi32, #tpu.memory_space<vmem>> -> memref<1x125xi32, #tpu.memory_space<vmem>>
        %dma_start3A_18 = tpu.memref_squeeze %dma_start3A_17 : memref<1x125xi32, #tpu.memory_space<vmem>> -> memref<125xi32, #tpu.memory_space<vmem>>
        %dma_start3A_19 = arith.constant 0 : i32
        %dma_start3A_20 = arith.constant 0 : i32
        %dma_start3A_21 = tpu.memref_slice %arg2[%dma_start3A_19, %dma_start3A_20] : memref<10000x128xf32, #tpu.memory_space<hbm>> -> memref<10000x128xf32, #tpu.memory_space<hbm>>
        tpu.enqueue_indirect_dma source(%dma_start3A_21 : memref<10000x128xf32, #tpu.memory_space<hbm>>) target(%arg9 : memref<125x128xf32, #tpu.memory_space<vmem>>) offsets(%dma_start3A_18 : memref<125xi32, #tpu.memory_space<vmem>>) semaphore(%run_scoped3A : memref<!tpu.dma_semaphore, #tpu.memory_space<semaphore_mem>>)
        %dma_wait3A = arith.constant 0 : i32
        %dma_wait3A_22 = tpu.memref_slice %arg7[%add3A_16, %dma_wait3A] : memref<80x125xi32, #tpu.memory_space<vmem>> -> memref<1x125xi32, #tpu.memory_space<vmem>>
        %dma_wait3A_23 = tpu.memref_squeeze %dma_wait3A_22 : memref<1x125xi32, #tpu.memory_space<vmem>> -> memref<125xi32, #tpu.memory_space<vmem>>
        %dma_wait3A_24 = arith.constant 0 : i32
        %dma_wait3A_25 = arith.constant 0 : i32
        %dma_wait3A_26 = tpu.memref_slice %arg2[%dma_wait3A_24, %dma_wait3A_25] : memref<10000x128xf32, #tpu.memory_space<hbm>> -> memref<10000x128xf32, #tpu.memory_space<hbm>>
        tpu.wait_indirect_dma semaphore(%run_scoped3A : memref<!tpu.dma_semaphore, #tpu.memory_space<semaphore_mem>>) src(%dma_wait3A_26 : memref<10000x128xf32, #tpu.memory_space<hbm>>) dst(%arg9 : memref<125x128xf32, #tpu.memory_space<vmem>>)
        tpu.yield
      }) : () -> ()
      "tpu.region"() ({
        %run_scoped3A = tpu.sem_alloc : memref<!tpu.dma_semaphore, #tpu.memory_space<semaphore_mem>>
        %dma_start3A = arith.constant 0 : i32
        %dma_start3A_17 = tpu.memref_slice %arg8[%add3A_16, %dma_start3A] : memref<80x125xi32, #tpu.memory_space<vmem>> -> memref<1x125xi32, #tpu.memory_space<vmem>>
        %dma_start3A_18 = tpu.memref_squeeze %dma_start3A_17 : memref<1x125xi32, #tpu.memory_space<vmem>> -> memref<125xi32, #tpu.memory_space<vmem>>
        %dma_start3A_19 = arith.constant 0 : i32
        %dma_start3A_20 = arith.constant 0 : i32
        %dma_start3A_21 = tpu.memref_slice %arg10[%dma_start3A_19, %dma_start3A_20] : memref<10112x128xf32, #tpu.memory_space<vmem_shared>> -> memref<10112x128xf32, #tpu.memory_space<vmem_shared>>
        tpu.enqueue_indirect_dma source(%arg9 : memref<125x128xf32, #tpu.memory_space<vmem>>) target(%dma_start3A_21 : memref<10112x128xf32, #tpu.memory_space<vmem_shared>>) offsets(%dma_start3A_18 : memref<125xi32, #tpu.memory_space<vmem>>) semaphore(%run_scoped3A : memref<!tpu.dma_semaphore, #tpu.memory_space<semaphore_mem>>) {add = true}
        %dma_wait3A = arith.constant 0 : i32
        %dma_wait3A_22 = tpu.memref_slice %arg8[%add3A_16, %dma_wait3A] : memref<80x125xi32, #tpu.memory_space<vmem>> -> memref<1x125xi32, #tpu.memory_space<vmem>>
        %dma_wait3A_23 = tpu.memref_squeeze %dma_wait3A_22 : memref<1x125xi32, #tpu.memory_space<vmem>> -> memref<125xi32, #tpu.memory_space<vmem>>
        %dma_wait3A_24 = arith.constant 0 : i32
        %dma_wait3A_25 = arith.constant 0 : i32
        %dma_wait3A_26 = tpu.memref_slice %arg10[%dma_wait3A_24, %dma_wait3A_25] : memref<10112x128xf32, #tpu.memory_space<vmem_shared>> -> memref<10112x128xf32, #tpu.memory_space<vmem_shared>>
        tpu.wait_indirect_dma semaphore(%run_scoped3A : memref<!tpu.dma_semaphore, #tpu.memory_space<semaphore_mem>>) src(%arg9 : memref<125x128xf32, #tpu.memory_space<vmem>>) dst(%dma_wait3A_26 : memref<10112x128xf32, #tpu.memory_space<vmem_shared>>)
        tpu.yield
      }) : () -> ()
    }
    %scan3A_6 = arith.constant 80 : i32
    %barrier3A_7 = arith.constant 0 : index
    tpu.barrier barrier_id(%barrier3A_7)
    %mul3A_8 = arith.constant 632 : i32
    %mul3A_9 = arith.muli %arg1, %mul3A_8 : i32
    %mul3A_10 = arith.constant 632 : i32
    %mul3A_11 = arith.muli %arg1, %mul3A_10 : i32
    "tpu.region"() ({
      %run_scoped3A = tpu.sem_alloc : memref<!tpu.dma_semaphore, #tpu.memory_space<semaphore_mem>>
      %dma_start3A = arith.constant 0 : i32
      %dma_start3A_12 = arith.constant 0 : i32
      %dma_start3A_13 = tpu.memref_slice %arg6[%arg0, %dma_start3A, %dma_start3A_12] : memref<2x10112x128xf32, #tpu.memory_space<hbm>> -> memref<1x10112x128xf32, #tpu.memory_space<hbm>>
      %dma_start3A_14 = tpu.memref_squeeze %dma_start3A_13 : memref<1x10112x128xf32, #tpu.memory_space<hbm>> -> memref<10112x128xf32, #tpu.memory_space<hbm>>
      %dma_start3A_15 = arith.constant 0 : i32
      %dma_start3A_16 = tpu.memref_slice %dma_start3A_14[%mul3A_11, %dma_start3A_15] : memref<10112x128xf32, #tpu.memory_space<hbm>> -> memref<632x128xf32, #tpu.memory_space<hbm>>
      %dma_start3A_17 = arith.constant 0 : i32
      %dma_start3A_18 = tpu.memref_slice %arg10[%mul3A_9, %dma_start3A_17] : memref<10112x128xf32, #tpu.memory_space<vmem_shared>> -> memref<632x128xf32, #tpu.memory_space<vmem_shared>>
      tpu.enqueue_dma source(%dma_start3A_18 : memref<632x128xf32, #tpu.memory_space<vmem_shared>>) target(%dma_start3A_16 : memref<632x128xf32, #tpu.memory_space<hbm>>) target_semaphore(%run_scoped3A : memref<!tpu.dma_semaphore, #tpu.memory_space<semaphore_mem>>)
      %dma_wait3A = arith.constant 0 : i32
      %dma_wait3A_19 = arith.constant 0 : i32
      %dma_wait3A_20 = tpu.memref_slice %arg6[%arg0, %dma_wait3A, %dma_wait3A_19] : memref<2x10112x128xf32, #tpu.memory_space<hbm>> -> memref<1x10112x128xf32, #tpu.memory_space<hbm>>
      %dma_wait3A_21 = tpu.memref_squeeze %dma_wait3A_20 : memref<1x10112x128xf32, #tpu.memory_space<hbm>> -> memref<10112x128xf32, #tpu.memory_space<hbm>>
      %dma_wait3A_22 = arith.constant 0 : i32
      %dma_wait3A_23 = tpu.memref_slice %dma_wait3A_21[%mul3A_11, %dma_wait3A_22] : memref<10112x128xf32, #tpu.memory_space<hbm>> -> memref<632x128xf32, #tpu.memory_space<hbm>>
      %dma_wait3A_24 = arith.constant 0 : i32
      %dma_wait3A_25 = tpu.memref_slice %arg10[%mul3A_9, %dma_wait3A_24] : memref<10112x128xf32, #tpu.memory_space<vmem_shared>> -> memref<632x128xf32, #tpu.memory_space<vmem_shared>>
      tpu.wait_dma2 semaphore(%run_scoped3A : memref<!tpu.dma_semaphore, #tpu.memory_space<semaphore_mem>>) src(%dma_wait3A_25 : memref<632x128xf32, #tpu.memory_space<vmem_shared>>) dst(%dma_wait3A_23 : memref<632x128xf32, #tpu.memory_space<hbm>>)
      tpu.yield
    }) : () -> ()
    return
  }
}

module attributes {stable_mosaic.version = 14 : i64} {
  func.func @_mm_body(%arg0: i32, %arg1: memref<2000x128xf32, #tpu.memory_space<vmem>>, %arg2: memref<128x128xf32, #tpu.memory_space<vmem>>, %arg3: memref<2000x128xf32, #tpu.memory_space<vmem>>) attributes {dimension_semantics = [#tpu.dimension_semantics<arbitrary>], iteration_bounds = array<i64: 5>, scalar_prefetch = 0 : i64, scratch_operands = 0 : i64, tpu.core_type = #tpu.core_type<tc>, window_params = [{transform_indices = @transform_0, window_bounds = array<i64: 2000, 128>}, {pipeline_mode = #tpu.pipeline_mode<synchronous>, transform_indices = @transform_1, window_bounds = array<i64: 128, 128>}, {transform_indices = @transform_2, window_bounds = array<i64: 2000, 128>}]} {
    %get3A = arith.constant 0 : index
    %get3A_0 = arith.constant 0 : index
    %get3A_1 = vector.load %arg1[%get3A, %get3A_0] : memref<2000x128xf32, #tpu.memory_space<vmem>>, vector<2000x128xf32>
    %get3A_2 = arith.constant 0 : index
    %get3A_3 = arith.constant 0 : index
    %get3A_4 = vector.load %arg2[%get3A_2, %get3A_3] : memref<128x128xf32, #tpu.memory_space<vmem>>, vector<128x128xf32>
    %dot_general3A = arith.constant dense<0.000000e+00> : vector<2000x128xf32>
    %dot_general3A_5 = tpu.matmul %get3A_1, %get3A_4, %dot_general3A {dimension_numbers = #tpu.dot_dimension_numbers<[1], [0], [0], [1], [0, 0, 1, 1], [], []>, transpose_lhs_hint = false} : vector<2000x128xf32>, vector<128x128xf32>, vector<2000x128xf32> -> vector<2000x128xf32>
    %swap3A = arith.constant 0 : index
    %swap3A_6 = arith.constant 0 : index
    %swap3A_7 = vector.load %arg3[%swap3A, %swap3A_6] : memref<2000x128xf32, #tpu.memory_space<vmem>>, vector<2000x128xf32>
    tpu.vector_store %arg3[%swap3A, %swap3A_6], %dot_general3A_5 {strides = array<i32>} : memref<2000x128xf32, #tpu.memory_space<vmem>>, vector<2000x128xf32>,
    return
  }
  func.func @transform_0(%arg0: i32) -> (i32, i32) {
    %c0_i32 = arith.constant 0 : i32
    %c0_i32_0 = arith.constant 0 : i32
    return %arg0, %c0_i32 : i32, i32
  }
  func.func @transform_1(%arg0: i32) -> (i32, i32) {
    %c0_i32 = arith.constant 0 : i32
    %c0_i32_0 = arith.constant 0 : i32
    %c0_i32_1 = arith.constant 0 : i32
    return %c0_i32, %c0_i32_0 : i32, i32
  }
  func.func @transform_2(%arg0: i32) -> (i32, i32) {
    %c0_i32 = arith.constant 0 : i32
    %c0_i32_0 = arith.constant 0 : i32
    return %arg0, %c0_i32 : i32, i32
  }
}

module attributes {stable_mosaic.version = 14 : i64} {
  func.func @_gru_body(%arg0: i32, %arg1: memref<2x2000x128xf32, #tpu.memory_space<vmem>>, %arg2: memref<2000x128xf32, #tpu.memory_space<vmem>>, %arg3: memref<128x384xf32, #tpu.memory_space<vmem>>, %arg4: memref<128x384xf32, #tpu.memory_space<vmem>>, %arg5: memref<1x384xf32, #tpu.memory_space<vmem>>, %arg6: memref<1x384xf32, #tpu.memory_space<vmem>>, %arg7: memref<2000x128xf32, #tpu.memory_space<vmem>>) attributes {dimension_semantics = [#tpu.dimension_semantics<arbitrary>], iteration_bounds = array<i64: 5>, scalar_prefetch = 0 : i64, scratch_operands = 0 : i64, tpu.core_type = #tpu.core_type<tc>, window_params = [{transform_indices = @transform_0, window_bounds = array<i64: 2, 2000, 128>}, {transform_indices = @transform_1, window_bounds = array<i64: 2000, 128>}, {pipeline_mode = #tpu.pipeline_mode<synchronous>, transform_indices = @transform_2, window_bounds = array<i64: 128, 384>}, {pipeline_mode = #tpu.pipeline_mode<synchronous>, transform_indices = @transform_3, window_bounds = array<i64: 128, 384>}, {pipeline_mode = #tpu.pipeline_mode<synchronous>, transform_indices = @transform_4, window_bounds = array<i64: 1, 384>}, {pipeline_mode = #tpu.pipeline_mode<synchronous>, transform_indices = @transform_5, window_bounds = array<i64: 1, 384>}, {transform_indices = @transform_6, window_bounds = array<i64: 2000, 128>}]} {
    %get3A = arith.constant 0 : index
    %get3A_0 = arith.constant 0 : index
    %get3A_1 = arith.constant 0 : index
    %get3A_2 = vector.load %arg1[%get3A, %get3A_0, %get3A_1] : memref<2x2000x128xf32, #tpu.memory_space<vmem>>, vector<1x2000x128xf32>
    %get3A_3 = vector.shape_cast %get3A_2 : vector<1x2000x128xf32> to vector<2000x128xf32>
    %get3A_4 = arith.constant 1 : index
    %get3A_5 = arith.constant 0 : index
    %get3A_6 = arith.constant 0 : index
    %get3A_7 = vector.load %arg1[%get3A_4, %get3A_5, %get3A_6] : memref<2x2000x128xf32, #tpu.memory_space<vmem>>, vector<1x2000x128xf32>
    %get3A_8 = vector.shape_cast %get3A_7 : vector<1x2000x128xf32> to vector<2000x128xf32>
    %add3A = arith.addf %get3A_3, %get3A_8 : vector<2000x128xf32>
    %get3A_9 = arith.constant 0 : index
    %get3A_10 = arith.constant 0 : index
    %get3A_11 = vector.load %arg2[%get3A_9, %get3A_10] : memref<2000x128xf32, #tpu.memory_space<vmem>>, vector<2000x128xf32>
    %get3A_12 = arith.constant 0 : index
    %get3A_13 = arith.constant 0 : index
    %get3A_14 = vector.load %arg3[%get3A_12, %get3A_13] : memref<128x384xf32, #tpu.memory_space<vmem>>, vector<128x384xf32>
    %dot_general3A = arith.constant dense<0.000000e+00> : vector<2000x384xf32>
    %dot_general3A_15 = tpu.matmul %add3A, %get3A_14, %dot_general3A {dimension_numbers = #tpu.dot_dimension_numbers<[1], [0], [0], [1], [0, 0, 1, 1], [], []>, transpose_lhs_hint = false} : vector<2000x128xf32>, vector<128x384xf32>, vector<2000x384xf32> -> vector<2000x384xf32>
    %get3A_16 = arith.constant 0 : index
    %get3A_17 = arith.constant 0 : index
    %get3A_18 = vector.load %arg5[%get3A_16, %get3A_17] : memref<1x384xf32, #tpu.memory_space<vmem>>, vector<1x384xf32>
    %add3A_19 = vector.broadcast %get3A_18 : vector<1x384xf32> to vector<2000x384xf32>
    %add3A_20 = arith.addf %dot_general3A_15, %add3A_19 : vector<2000x384xf32>
    %get3A_21 = arith.constant 0 : index
    %get3A_22 = arith.constant 0 : index
    %get3A_23 = vector.load %arg4[%get3A_21, %get3A_22] : memref<128x384xf32, #tpu.memory_space<vmem>>, vector<128x384xf32>
    %dot_general3A_24 = arith.constant dense<0.000000e+00> : vector<2000x384xf32>
    %dot_general3A_25 = tpu.matmul %get3A_11, %get3A_23, %dot_general3A_24 {dimension_numbers = #tpu.dot_dimension_numbers<[1], [0], [0], [1], [0, 0, 1, 1], [], []>, transpose_lhs_hint = false} : vector<2000x128xf32>, vector<128x384xf32>, vector<2000x384xf32> -> vector<2000x384xf32>
    %get3A_26 = arith.constant 0 : index
    %get3A_27 = arith.constant 0 : index
    %get3A_28 = vector.load %arg6[%get3A_26, %get3A_27] : memref<1x384xf32, #tpu.memory_space<vmem>>, vector<1x384xf32>
    %add3A_29 = vector.broadcast %get3A_28 : vector<1x384xf32> to vector<2000x384xf32>
    %add3A_30 = arith.addf %dot_general3A_25, %add3A_29 : vector<2000x384xf32>
    %slice3A = vector.extract_strided_slice %add3A_20 {offsets = [0, 0], sizes = [2000, 128], strides = [1, 1]} : vector<2000x384xf32> to vector<2000x128xf32>
    %slice3A_31 = vector.extract_strided_slice %add3A_20 {offsets = [0, 128], sizes = [2000, 128], strides = [1, 1]} : vector<2000x384xf32> to vector<2000x128xf32>
    %slice3A_32 = vector.extract_strided_slice %add3A_20 {offsets = [0, 256], sizes = [2000, 128], strides = [1, 1]} : vector<2000x384xf32> to vector<2000x128xf32>
    %slice3A_33 = vector.extract_strided_slice %add3A_30 {offsets = [0, 0], sizes = [2000, 128], strides = [1, 1]} : vector<2000x384xf32> to vector<2000x128xf32>
    %slice3A_34 = vector.extract_strided_slice %add3A_30 {offsets = [0, 128], sizes = [2000, 128], strides = [1, 1]} : vector<2000x384xf32> to vector<2000x128xf32>
    %slice3A_35 = vector.extract_strided_slice %add3A_30 {offsets = [0, 256], sizes = [2000, 128], strides = [1, 1]} : vector<2000x384xf32> to vector<2000x128xf32>
    %add3A_36 = arith.addf %slice3A, %slice3A_33 : vector<2000x128xf32>
    %logistic3A = arith.negf %add3A_36 : vector<2000x128xf32>
    %logistic3A_37 = math.exp %logistic3A : vector<2000x128xf32>
    %logistic3A_38 = arith.constant 1.000000e+00 : f32
    %logistic3A_39 = vector.broadcast %logistic3A_38 : f32 to vector<2000x128xf32>
    %logistic3A_40 = arith.addf %logistic3A_39, %logistic3A_37 : vector<2000x128xf32>
    %logistic3A_41 = arith.divf %logistic3A_39, %logistic3A_40 : vector<2000x128xf32>
    %add3A_42 = arith.addf %slice3A_31, %slice3A_34 : vector<2000x128xf32>
    %logistic3A_43 = arith.negf %add3A_42 : vector<2000x128xf32>
    %logistic3A_44 = math.exp %logistic3A_43 : vector<2000x128xf32>
    %logistic3A_45 = arith.constant 1.000000e+00 : f32
    %logistic3A_46 = vector.broadcast %logistic3A_45 : f32 to vector<2000x128xf32>
    %logistic3A_47 = arith.addf %logistic3A_46, %logistic3A_44 : vector<2000x128xf32>
    %logistic3A_48 = arith.divf %logistic3A_46, %logistic3A_47 : vector<2000x128xf32>
    %mul3A = arith.mulf %logistic3A_41, %slice3A_35 : vector<2000x128xf32>
    %add3A_49 = arith.addf %slice3A_32, %mul3A : vector<2000x128xf32>
    %tanh3A = math.tanh %add3A_49 : vector<2000x128xf32>
    %sub3A = arith.constant 1.000000e+00 : f32
    %sub3A_50 = vector.broadcast %sub3A : f32 to vector<2000x128xf32>
    %sub3A_51 = arith.subf %sub3A_50, %logistic3A_48 : vector<2000x128xf32>
    %mul3A_52 = arith.mulf %sub3A_51, %tanh3A : vector<2000x128xf32>
    %mul3A_53 = arith.mulf %logistic3A_48, %get3A_11 : vector<2000x128xf32>
    %add3A_54 = arith.addf %mul3A_52, %mul3A_53 : vector<2000x128xf32>
    %swap3A = arith.constant 0 : index
    %swap3A_55 = arith.constant 0 : index
    %swap3A_56 = vector.load %arg7[%swap3A, %swap3A_55] : memref<2000x128xf32, #tpu.memory_space<vmem>>, vector<2000x128xf32>
    tpu.vector_store %arg7[%swap3A, %swap3A_55], %add3A_54 {strides = array<i32>} : memref<2000x128xf32, #tpu.memory_space<vmem>>, vector<2000x128xf32>,
    return
  }
  func.func @transform_0(%arg0: i32) -> (i32, i32, i32) {
    %c0_i32 = arith.constant 0 : i32
    %c0_i32_0 = arith.constant 0 : i32
    %c0_i32_1 = arith.constant 0 : i32
    return %c0_i32, %arg0, %c0_i32_0 : i32, i32, i32
  }
  func.func @transform_1(%arg0: i32) -> (i32, i32) {
    %c0_i32 = arith.constant 0 : i32
    %c0_i32_0 = arith.constant 0 : i32
    return %arg0, %c0_i32 : i32, i32
  }
  func.func @transform_2(%arg0: i32) -> (i32, i32) {
    %c0_i32 = arith.constant 0 : i32
    %c0_i32_0 = arith.constant 0 : i32
    %c0_i32_1 = arith.constant 0 : i32
    return %c0_i32, %c0_i32_0 : i32, i32
  }
  func.func @transform_3(%arg0: i32) -> (i32, i32) {
    %c0_i32 = arith.constant 0 : i32
    %c0_i32_0 = arith.constant 0 : i32
    %c0_i32_1 = arith.constant 0 : i32
    return %c0_i32, %c0_i32_0 : i32, i32
  }
  func.func @transform_4(%arg0: i32) -> (i32, i32) {
    %c0_i32 = arith.constant 0 : i32
    %c0_i32_0 = arith.constant 0 : i32
    %c0_i32_1 = arith.constant 0 : i32
    return %c0_i32, %c0_i32_0 : i32, i32
  }
  func.func @transform_5(%arg0: i32) -> (i32, i32) {
    %c0_i32 = arith.constant 0 : i32
    %c0_i32_0 = arith.constant 0 : i32
    %c0_i32_1 = arith.constant 0 : i32
    return %c0_i32, %c0_i32_0 : i32, i32
  }
  func.func @transform_6(%arg0: i32) -> (i32, i32) {
    %c0_i32 = arith.constant 0 : i32
    %c0_i32_0 = arith.constant 0 : i32
    return %arg0, %c0_i32 : i32, i32
  }
}

module attributes {stable_mosaic.version = 14 : i64} {
  func.func @_final_body(%arg0: memref<10000x128xf32, #tpu.memory_space<vmem>>, %arg1: memref<10000x1xf32, #tpu.memory_space<vmem>>, %arg2: memref<128x64xf32, #tpu.memory_space<vmem>>, %arg3: memref<1x64xf32, #tpu.memory_space<vmem>>, %arg4: memref<64x128xf32, #tpu.memory_space<vmem>>, %arg5: memref<1x128xf32, #tpu.memory_space<vmem>>, %arg6: memref<64x128xf32, #tpu.memory_space<vmem>>) attributes {dimension_semantics = [], scalar_prefetch = 0 : i64, scratch_operands = 0 : i64, tpu.core_type = #tpu.core_type<tc>} {
    %get3A = arith.constant 0 : index
    %get3A_0 = arith.constant 0 : index
    %get3A_1 = vector.load %arg0[%get3A, %get3A_0] : memref<10000x128xf32, #tpu.memory_space<vmem>>, vector<10000x128xf32>
    %max3A = arith.constant 0.000000e+00 : f32
    %max3A_2 = vector.broadcast %max3A : f32 to vector<10000x128xf32>
    %max3A_3 = arith.maximumf %get3A_1, %max3A_2 : vector<10000x128xf32>
    %get3A_4 = arith.constant 0 : index
    %get3A_5 = arith.constant 0 : index
    %get3A_6 = vector.load %arg1[%get3A_4, %get3A_5] : memref<10000x1xf32, #tpu.memory_space<vmem>>, vector<10000x1xf32>
    %iota3A = tpu.iota {dimensions = array<i32: 1>} : vector<1x64xi32>
    %convert_element_type3A = arith.sitofp %iota3A : vector<1x64xi32> to vector<1x64xf32>
    %eq3A = vector.broadcast %get3A_6 : vector<10000x1xf32> to vector<10000x64xf32>
    %eq3A_7 = vector.broadcast %convert_element_type3A : vector<1x64xf32> to vector<10000x64xf32>
    %eq3A_8 = arith.cmpf oeq, %eq3A, %eq3A_7 : vector<10000x64xf32>
    %convert_element_type3A_9 = arith.extui %eq3A_8 : vector<10000x64xi1> to vector<10000x64xi32>
    %convert_element_type3A_10 = arith.sitofp %convert_element_type3A_9 : vector<10000x64xi32> to vector<10000x64xf32>
    %dot_general3A = arith.constant dense<0.000000e+00> : vector<64x128xf32>
    %dot_general3A_11 = tpu.matmul %convert_element_type3A_10, %max3A_3, %dot_general3A {dimension_numbers = #tpu.dot_dimension_numbers<[0], [0], [1], [1], [0, 1, 1, 1], [], []>, transpose_lhs_hint = false} : vector<10000x64xf32>, vector<10000x128xf32>, vector<64x128xf32> -> vector<64x128xf32>
    %reduce_sum3A = arith.constant dense<0.000000e+00> : vector<64xf32>
    %reduce_sum3A_12 = vector.multi_reduction <add>, %convert_element_type3A_10, %reduce_sum3A [0] : vector<10000x64xf32> to vector<64xf32>
    %broadcast_in_dim3A = vector.shape_cast %reduce_sum3A_12 : vector<64xf32> to vector<64x1xf32>
    %max3A_13 = arith.constant 1.000000e+00 : f32
    %max3A_14 = vector.broadcast %max3A_13 : f32 to vector<64x1xf32>
    %max3A_15 = arith.maximumf %broadcast_in_dim3A, %max3A_14 : vector<64x1xf32>
    %div3A = vector.broadcast %max3A_15 : vector<64x1xf32> to vector<64x128xf32>
    %div3A_16 = arith.divf %dot_general3A_11, %div3A : vector<64x128xf32>
    %get3A_17 = arith.constant 0 : index
    %get3A_18 = arith.constant 0 : index
    %get3A_19 = vector.load %arg2[%get3A_17, %get3A_18] : memref<128x64xf32, #tpu.memory_space<vmem>>, vector<128x64xf32>
    %dot_general3A_20 = arith.constant dense<0.000000e+00> : vector<64x64xf32>
    %dot_general3A_21 = tpu.matmul %div3A_16, %get3A_19, %dot_general3A_20 {dimension_numbers = #tpu.dot_dimension_numbers<[1], [0], [0], [1], [0, 0, 1, 1], [], []>, transpose_lhs_hint = false} : vector<64x128xf32>, vector<128x64xf32>, vector<64x64xf32> -> vector<64x64xf32>
    %get3A_22 = arith.constant 0 : index
    %get3A_23 = arith.constant 0 : index
    %get3A_24 = vector.load %arg3[%get3A_22, %get3A_23] : memref<1x64xf32, #tpu.memory_space<vmem>>, vector<1x64xf32>
    %add3A = vector.broadcast %get3A_24 : vector<1x64xf32> to vector<64x64xf32>
    %add3A_25 = arith.addf %dot_general3A_21, %add3A : vector<64x64xf32>
    %max3A_26 = arith.constant 0.000000e+00 : f32
    %max3A_27 = vector.broadcast %max3A_26 : f32 to vector<64x64xf32>
    %max3A_28 = arith.maximumf %add3A_25, %max3A_27 : vector<64x64xf32>
    %get3A_29 = arith.constant 0 : index
    %get3A_30 = arith.constant 0 : index
    %get3A_31 = vector.load %arg4[%get3A_29, %get3A_30] : memref<64x128xf32, #tpu.memory_space<vmem>>, vector<64x128xf32>
    %dot_general3A_32 = arith.constant dense<0.000000e+00> : vector<64x128xf32>
    %dot_general3A_33 = tpu.matmul %max3A_28, %get3A_31, %dot_general3A_32 {dimension_numbers = #tpu.dot_dimension_numbers<[1], [0], [0], [1], [0, 0, 1, 1], [], []>, transpose_lhs_hint = false} : vector<64x64xf32>, vector<64x128xf32>, vector<64x128xf32> -> vector<64x128xf32>
    %get3A_34 = arith.constant 0 : index
    %get3A_35 = arith.constant 0 : index
    %get3A_36 = vector.load %arg5[%get3A_34, %get3A_35] : memref<1x128xf32, #tpu.memory_space<vmem>>, vector<1x128xf32>
    %add3A_37 = vector.broadcast %get3A_36 : vector<1x128xf32> to vector<64x128xf32>
    %add3A_38 = arith.addf %dot_general3A_33, %add3A_37 : vector<64x128xf32>
    %iota3A_39 = tpu.iota {dimensions = array<i32: 1>} : vector<64x128xi32>
    %lt3A = arith.constant 6 : i32
    %lt3A_40 = vector.broadcast %lt3A : i32 to vector<64x128xi32>
    %lt3A_41 = arith.cmpi slt, %iota3A_39, %lt3A_40 : vector<64x128xi32>
    %jit3A = arith.constant -1.000000e+30 : f32
    %broadcast_in_dim3A_42 = vector.broadcast %jit3A : f32 to vector<64x128xf32>
    %select_n3A = arith.select %lt3A_41, %add3A_38, %broadcast_in_dim3A_42 : vector<64x128xi1>, vector<64x128xf32>
    %reduce_max3A = arith.constant dense<0xFF800000> : vector<64xf32>
    %reduce_max3A_43 = vector.multi_reduction <maximumf>, %select_n3A, %reduce_max3A [1] : vector<64x128xf32> to vector<64xf32>
    %broadcast_in_dim3A_44 = vector.shape_cast %reduce_max3A_43 : vector<64xf32> to vector<64x1xf32>
    %sub3A = vector.broadcast %broadcast_in_dim3A_44 : vector<64x1xf32> to vector<64x128xf32>
    %sub3A_45 = arith.subf %add3A_38, %sub3A : vector<64x128xf32>
    %exp3A = math.exp %sub3A_45 : vector<64x128xf32>
    %jit3A_46 = arith.constant 0.000000e+00 : f32
    %broadcast_in_dim3A_47 = vector.broadcast %jit3A_46 : f32 to vector<64x128xf32>
    %select_n3A_48 = arith.select %lt3A_41, %exp3A, %broadcast_in_dim3A_47 : vector<64x128xi1>, vector<64x128xf32>
    %reduce_sum3A_49 = arith.constant dense<0.000000e+00> : vector<64xf32>
    %reduce_sum3A_50 = vector.multi_reduction <add>, %select_n3A_48, %reduce_sum3A_49 [1] : vector<64x128xf32> to vector<64xf32>
    %broadcast_in_dim3A_51 = vector.shape_cast %reduce_sum3A_50 : vector<64xf32> to vector<64x1xf32>
    %log3A = math.log %broadcast_in_dim3A_51 : vector<64x1xf32>
    %sub3A_52 = vector.broadcast %broadcast_in_dim3A_44 : vector<64x1xf32> to vector<64x128xf32>
    %sub3A_53 = arith.subf %add3A_38, %sub3A_52 : vector<64x128xf32>
    %sub3A_54 = vector.broadcast %log3A : vector<64x1xf32> to vector<64x128xf32>
    %sub3A_55 = arith.subf %sub3A_53, %sub3A_54 : vector<64x128xf32>
    %swap3A = arith.constant 0 : index
    %swap3A_56 = arith.constant 0 : index
    %swap3A_57 = vector.load %arg6[%swap3A, %swap3A_56] : memref<64x128xf32, #tpu.memory_space<vmem>>, vector<64x128xf32>
    tpu.vector_store %arg6[%swap3A, %swap3A_56], %sub3A_55 {strides = array<i32>} : memref<64x128xf32, #tpu.memory_space<vmem>>, vector<64x128xf32>,
    return
  }
}

</mosaic_0001>

<sc_bundles>
// kernel: kernel.12.cloned.1.call-start
scs
__scs_entry_jumppad:
0x0: {  	(pc) =	sbr.rel $0x88, $3  }
0x1: {  	(tag) =	ssettag $0x0;
	lr =	simm.s32 $0x1  }
0x2: {  	[smem:$0x3F95] =	sst lr;
	_ =	strace $0xD0000000  }
0x3: {  	_ = 	snop  }
0x4: {  	_ = 	snop  }
0x5: {  	_ = 	snop  }
0x6: {  	_ = 	snop  }
0x7: {  	_ = 	snop  }
__scs_overlays_trampoline_lowered:
0x8: {  	[smem:$0x3FA4] =	sst s0  }
0x9: {  	[smem:$0x3FA5] =	sst s1  }
0xa: {  	[smem:$0x3FA6] =	sst s2  }
0xb: {  	[smem:$0x3FA7] =	sst s3  }
0xc: {  	[smem:$0x3FA8] =	sst s4  }
0xd: {  	[smem:$0x3FA9] =	sst s5  }
0xe: {  	[smem:$0x3FAA] =	sst s6  }
0xf: {  	[smem:$0x3FAB] =	sst s7  }
0x10: {  	[smem:$0x3FAC] =	sst s8  }
0x11: {  	[smem:$0x3FAD] =	sst s9;
	s0 =	simm.s32 @!p0 $0x0  }
0x12: {  	s1 =	sld [smem:$0x3F93];
	s0 =	simm.s32 @p0 $0x1  }
0x13: {  	[smem:$0x3FAE] =	sst s0;
	s0 =	simm.s32 @!p1 $0x0  }
0x14: {  	s2 =	sld [smem:$0x3F92];
	s0 =	simm.s32 @p1 $0x1  }
0x15: {  	[smem:$0x3FAF] =	sst s0;
	s0 =	simm.s32 @!p2 $0x0  }
0x16: {  	s3 =	sld [smem:$0x3FDB];
	s0 =	simm.s32 @p2 $0x1  }
0x17: {  	s4 =	simm.s32 $0x1BF5;
	[smem:$0x3FB1] =	sst s0  }
0x18: {  	s0 =	sld [smem:$0x3F94];
	_ =	swait.ge [sflag:s4], $0x0  }
0x19: {  	s7 =	sld [smem:$0x3F95]  }
0x1a: {  	s8 =	sadd.s32 $0xFFFFE003, lr  }
0x1b: {  	s9 =	sadd.s32 $0xFFFFFEF7, lr;
	s5 =	simm.s32 $0xFFFFFFFF;
	p2 =	slt.u32 s8, $0xFFFFF086  }
0x1c: {  	p1 =	slt.u32 s9, $0xF7A;
	s5 =	simm.s32 @!p2 $0x0  }
0x1d: {  	s5 =	simm.s32 @p1 $0x1;
	p0 =	seq.s32 s7, s2  }
0x1e: {  	s7 =	smul.u32 @!p0 $0xF7A, s2;
	p2 =	seq.s32 @!p0 s5, $0x0  }
0x1f: {  	s9 =	smul.u32 $0xF7A, s1;
	s8 =	simm.s32 @!p0 $0x1BF5;
	p2 =	por !p2, p0  }
0x20: {  	[sflag:s8] =	ssyncset.s32 @!p0 $0xFFFFF086;
	s6 =	sadd.s32 @!p0 s3, s7;
	s7 =	simm.s32 @!p0 $0x108  }
0x21: {  	s3 =	sadd.s32 s3, s9;
	s6 =	sadd.s32 @!p0 $0x88, s6;
	s7 =	simm.s32 @p2 $0x1082  }
0x22: {  	[simem:s7], [sflag:s8] =	dma.local @!p0 [hbm:s6], $0xF7A  }
0x23: {  	s9 =	sor.u32 $0xD0000000, s2;
	s6 =	simm.s32 $0x108;
	_ =	swait.ge @!p0 [sflag:s8], $0x0  }
0x24: {  	s3 =	sadd.s32 $0x88, s3;
	s6 =	simm.s32 @!p1 $0x1082;
	[sflag:s4] =	ssyncset.s32 $0xFFFFF086  }
0x25: {  	[simem:s6], [sflag:s4] =	dma.local [hbm:s3], $0xF7A  }
0x26: {  	[smem:$0x3F95] =	sst s1;
	(tag) =	ssettag s2;
	_ =	strace s9  }
0x27: {  	s1 =	sld [smem:$0x3FA5]  }
0x28: {  	s2 =	sld [smem:$0x3FA6]  }
0x29: {  	s4 =	sld [smem:$0x3FA8]  }
0x2a: {  	p0 =	seq.s32 s5, $0x0;
	s5 =	sld [smem:$0x3FA9]  }
0x2b: {  	s6 =	sld [smem:$0x3FAA]  }
0x2c: {  	s7 =	sld [smem:$0x3FAB]  }
0x2d: {  	s3 =	simm.s32 $0x108;
	s8 =	sld [smem:$0x3FAC]  }
0x2e: {  	s3 =	simm.s32 @!p0 $0x1082;
	s9 =	sld [smem:$0x3FAD]  }
0x2f: {  	lr =	sadd.s32 s0, s3;
	s0 =	sld [smem:$0x3FA4]  }
0x30: {  	s3 =	sld [smem:$0x3FA7]  }
0x31: {  	[smem:$0x3FB0] =	sst s10  }
0x32: {  	s10 =	sld [smem:$0x3FAE];
	_ =	sdelay $0x3  }
0x33: {  	p0 =	seq.s32 s10, $0x1;
	s10 =	sld [smem:$0x3FB0];
	_ =	sdelay $0x3  }
0x34: {  	[smem:$0x3FB0] =	sst s10  }
0x35: {  	s10 =	sld [smem:$0x3FAF];
	_ =	sdelay $0x3  }
0x36: {  	p1 =	seq.s32 s10, $0x1;
	s10 =	sld [smem:$0x3FB0];
	_ =	sdelay $0x3  }
0x37: {  	[smem:$0x3FB0] =	sst s10  }
0x38: {  	s10 =	sld [smem:$0x3FB1]  }
0x39: {  	_ = 	snop;
	(pc) =	sbr.ind lr, $3  }
0x3a: {  	_ = 	snop  }
0x3b: {  	_ = 	snop  }
0x3c: {  	p2 =	seq.s32 s10, $0x1;
	s10 =	sld [smem:$0x3FB0]  }
0x3d: {  	_ =	shalt  }
0x3e: {  	_ =	shalt  }
0x3f: {  	_ =	shalt  }
0x40: {  	_ =	shalt  }
0x41: {  	_ =	shalt  }
0x42: {  	_ =	shalt  }
0x43: {  	_ =	shalt  }
0x44: {  	_ =	shalt  }
0x45: {  	_ =	shalt  }
0x46: {  	_ =	shalt  }
0x47: {  	_ =	shalt  }
0x48: {  	_ =	shalt  }
0x49: {  	_ =	shalt  }
0x4a: {  	_ =	shalt  }
0x4b: {  	_ =	shalt  }
0x4c: {  	_ =	shalt  }
0x4d: {  	_ =	shalt  }
0x4e: {  	_ =	shalt  }
0x4f: {  	_ =	shalt  }
0x50: {  	_ =	shalt  }
0x51: {  	_ =	shalt  }
0x52: {  	_ =	shalt  }
0x53: {  	_ =	shalt  }
0x54: {  	_ =	shalt  }
0x55: {  	_ =	shalt  }
0x56: {  	_ =	shalt  }
0x57: {  	_ =	shalt  }
0x58: {  	_ =	shalt  }
0x59: {  	_ =	shalt  }
0x5a: {  	_ =	shalt  }
0x5b: {  	_ =	shalt  }
0x5c: {  	_ =	shalt  }
0x5d: {  	_ =	shalt  }
0x5e: {  	_ =	shalt  }
0x5f: {  	_ =	shalt  }
0x60: {  	_ =	shalt  }
0x61: {  	_ =	shalt  }
0x62: {  	_ =	shalt  }
0x63: {  	_ =	shalt  }
0x64: {  	_ =	shalt  }
0x65: {  	_ =	shalt  }
0x66: {  	_ =	shalt  }
0x67: {  	_ =	shalt  }
0x68: {  	_ =	shalt  }
0x69: {  	_ =	shalt  }
0x6a: {  	_ =	shalt  }
0x6b: {  	_ =	shalt  }
0x6c: {  	_ =	shalt  }
0x6d: {  	_ =	shalt  }
0x6e: {  	_ =	shalt  }
0x6f: {  	_ =	shalt  }
0x70: {  	_ =	shalt  }
0x71: {  	_ =	shalt  }
0x72: {  	_ =	shalt  }
0x73: {  	_ =	shalt  }
0x74: {  	_ =	shalt  }
0x75: {  	_ =	shalt  }
0x76: {  	_ =	shalt  }
0x77: {  	_ =	shalt  }
0x78: {  	_ =	shalt  }
0x79: {  	_ =	shalt  }
0x7a: {  	_ =	shalt  }
0x7b: {  	_ =	shalt  }
0x7c: {  	_ =	shalt  }
0x7d: {  	_ =	shalt  }
0x7e: {  	_ =	shalt  }
0x7f: {  	_ =	shalt  }
0x80: {  	_ =	shalt  }
0x81: {  	_ =	shalt  }
0x82: {  	_ =	shalt  }
0x83: {  	_ =	shalt  }
0x84: {  	_ =	shalt  }
0x85: {  	_ =	shalt  }
0x86: {  	_ =	shalt  }
0x87: {  	_ =	shalt  }
.Lfunc_end0:
.L_simem_size_0:
called_computation.1_lowered:
.L_overlay_start_0:
0x88: {  	s2 =	sld [smem:$0x3FD9]  }
0x89: {  	s3 =	sld [smem:$0x3FFE];
	_ =	sdelay $0x1  }
0x8a: {  	s1 =	srdreg.scid  }
0x8b: {  	s0 =	sand.u32 $0x1, s1  }
0x8c: {  	s16 =	sshll.u32 s0, $0xA;
	s2 =	sadd.s32 s3, s2  }
0x8d: {  	s2 =	sadd.s32 s2, s16  }
0x8e: {  	[smem:$0x3FBC] =	sst s2  }
0x8f: {  	_ = 	snop  }
0x90: {  	(tm) =	ssettm $0x1  }
0x91: {  	s17 =	sld [smem:$0x3FFB];
	_ =	sdelay $0x3  }
0x92: {  	_ =	strace s17  }
0x93: {  	s2 =	sld [smem:$0x3FFC];
	_ =	sdelay $0x3  }
0x94: {  	_ =	strace s2  }
0x95: {  	s2 =	sld [smem:$0x3FFD];
	_ =	sdelay $0x3  }
0x96: {  	_ =	strace s2  }
0x97: {  	_ =	strace $0x8FFFFFFF  }
0x98: {  	s18 =	sld [smem:$0x3FDB];
	_ =	sdelay $0x1  }
0x99: {  	s19 =	simm.s32 $_scs_section_size  }
0x9a: {  	s4 =	simm.s32 $_size__tile_overlayer_lowered;
	s5 =	simm.s32 $_tile_overlayer_lowered  }
0x9b: {  	s22 =	simm.s32 $0x1BFF;
	s21 =	sshll.u32 s5, $0x1;
	s2 =	sadd.s32 s19, s18  }
0x9c: {  	s6 =	simm.s32 $0x0;
	s20 =	sshll.u32 s4, $0x1;
	s4 =	sadd.s32 s21, s2  }
0x9d: {  	[timem:s6], [sflag:s22] =	dma.local [hbm:s4], s20  }
0x9e: {  	_ =	swait.ge [sflag:s22], s20  }
0x9f: {  	s3 =	ssub.s32 $0x0, s20;
	[sflag:s22] =	ssyncset.done $0x0  }
0xa0: {  	[sflag:s22] =	ssyncadd.s32 s3;
	_ =	sdelay $0x1  }
0xa1: {  	s23 =	simm.s32 $0x1B8B  }
0xa2: {  	_ =	swait.ge [sflag:s23], $0x1  }
0xa3: {  	[sflag:s23] =	ssyncset.done $0x0  }
0xa4: {  	s25 =	simm.s32 $0x1B8E;
	s24 =	sld [smem:$0x3FFE];
	[sflag:s23] =	ssyncadd.s32 $0xFFFFFFFF  }
0xa5: {  	s26 =	simm.s32 $execute0_lowered;
	[smem:$0x3FD2] =	sst s25  }
0xa6: {  	s4 =	sshll.u32 s26, $0x1;
	_ =	strace $0x80000049;
	[dreg:$0x1] =	wrdreg $0xFFFFFFFF  }
0xa7: {  	s28 =	simm.s32 $_size_execute0_lowered;
	s2 =	sadd.s32 s2, s4;
	[dreg:$0x0] =	wrdreg $0x0  }
0xa8: {  	s4 =	sshll.u32 s28, $0x1;
	[dreg:$0x2] =	wrdreg s2  }
0xa9: {  	[dreg:$0x3] =	wrdreg s4  }
0xaa: {  	[dreg:$0x4] =	wrdreg $0xC0  }
0xab: {  	_ =	task [dreg:s6], $0x5FFFF  }
0xac: {  	[dreg:$0x1] =	wrdreg $0xFFFFFFFF  }
0xad: {  	[dreg:$0x0] =	wrdreg $0x60  }
0xae: {  	[dreg:$0x2] =	wrdreg s24  }
0xaf: {  	[dreg:$0x3] =	wrdreg $0x90000  }
0xb0: {  	[dreg:$0x4] =	wrdreg $0x9  }
0xb1: {  	_ =	task.clear_ibuf [dreg:s6], $0x5FFFF;
	_ =	strace $0x90000049  }
0xb2: {  	s29 =	simm.s32 $0x9;
	_ =	strace $0x8000004B  }
0xb3: {  	_ =	swait.ge [sflag:s29], $0x1  }
0xb4: {  	[sflag:s29] =	ssyncadd.s32 $0xFFFFFFFF  }
0xb5: {  	_ =	strace $0x9000004B  }
0xb6: {  	_ =	sfence  }
0xb7: {  	s30 =	sld [smem:$0x0];
	_ =	sdelay $0x2  }
0xb8: {  	s31 =	sshll.u32 s1, $0xD;
	s1 =	sshrl.u32 s1, $0x2  }
0xb9: {  	s3 =	sand.u32 $0x4000, s31;
	s1 =	sadd.s32 s1, s30  }
0xba: {  	s0 =	sor.u32 s3, s0;
	s1 =	sshll.u32 s1, $0x11  }
0xbb: {  	s0 =	sor.u32 s1, s0  }
0xbc: {  	s0 =	sadd.s32 $0x8F2B, s0  }
0xbd: {  	[sflag:s0] =	ssyncadd.remote.s32 $0x1  }
0xbe: {  	_ =	sfence.sel $0xFFFF  }
0xbf: {  	[dreg:$0x0] =	wrdreg $0xFFFFFFFF;
	(pc) =	sbr.abs _section_cstart, $3  }
0xc0: {  	[dreg:$0x1] =	wrdreg $0xFFFFFFFF  }
0xc1: {  	_ =	task.clear_ibuf [dreg:s6], $0x2FFFF;
	_ =	strace $0x9FFFFFFF  }
0xc2: {  	(tm) =	ssettm $0x7FFFFFFF  }
0xc3: {  	_ =	shalt  }
tec
execute0_lowered:
.L_overlay_start_1:
0x0: {  	(tag) =	ssettag $0x1  }
0x1: {  	s0 =	srdreg.scid;
	s6 =	rddreg [dreg:$0x0]  }
0x2: {  	s2 =	rddreg [dreg:$0x1];
	s1 =	stileid.u32  }
0x3: {  	s3 =	simm.s32 $0x0;
	s7 =	sand.u32 $0x1, s0;
	s0 =	rddreg [dreg:$0x2]  }
0x4: {  	s14 =	simm.s32 $0x5000;
	[smem:$0x7FF] =	sst s3;
	s10 =	smul.u32 $0x4F000, s1  }
0x5: {  	s31 =	sshll.u32 s1, $0x6;
	s16 =	smul.u32 $0x2780, s1;
	s4 =	sshll.u32 s7, $0x4  }
0x6: {  	_ =	strace $0x8000004A;
	s8 =	smul.u32 $0x27800, s7;
	s29 =	ssub.s32 $0x2, s7  }
0x7: {  	s4 =	sor.u32 s1, s4;
	s7 =	sshrl.u32 s29, $0x1;
	s30 =	sshrl.u32 s10, $0x2  }
0x8: {  	s5 =	smul.u32 $0x500, s4;
	s4 =	sadd.s32 $0x15A00, s6;
	s11 =	sadd.s32 s8, s6  }
0x9: {  	s12 =	ssub.s32 s29, s7;
	s13 =	sadd.s32 s30, s2;
	s15 =	sadd.s32 $0x3F400, s11  }
0xa: {  	s10 =	sshrl.u32 s13, $0x3;
	s11 =	simm.s32 $0x1;
	s13 =	simm.s32 $0x7D  }
0xb: {  	s9 =	sadd.s32 s5, s6;
	s5 =	sadd.s32 $0x3CC00, s6;
	s6 =	sor.u32 $0x1C01, s31  }
0xc: {  	s15 =	sadd.s32 s16, s15;
	s16 =	simm.s32 $0x0;
	s7 =	sadd.s32 $0x1A00, s9  }
0xd: {  	s8 =	sadd.s32 $0xBA00, s9;
	s9 =	smax.u32 s12, $0x1;
	s12 =	simm.s32 $0x2800  }
.LBB2_1:
0xe: {  	[spmem:s10], [sflag:s6] =	dma.local [hbm:s5], $0x2780  }
0xf: {  	_ =	swait.ge [sflag:s11], $0x2780  }
0x10: {  	[sflag:s11] =	ssyncset.done $0x0  }
0x11: {  	[sflag:s11] =	ssyncadd.s32 $0xFFFFD880  }
0x12: {  	[tilespmem:s3], [sflag:$0x1] =	stream.linear.gather [hbm4b:s7+s3], $0x2800, $0x38;
	[tilespmem:$0x1CC00] =	vst v63  }
0x13: {  	_ =	swait.ge [sflag:s11], $0x2800  }
0x14: {  	[sflag:s11] =	ssyncset.done $0x0  }
0x15: {  	[sflag:s11] =	ssyncadd.s32 $0xFFFFD800  }
0x16: {  	[tilespmem:s12], [sflag:$0x1] =	stream.linear.gather [hbm4b:s8+s3], $0x2800, $0x38;
	[tilespmem:$0x1CC00] =	vst v63  }
0x17: {  	_ =	swait.ge [sflag:s11], $0x2800  }
0x18: {  	[sflag:s11] =	ssyncset.done $0x0  }
0x19: {  	[sflag:s11] =	ssyncadd.s32 $0xFFFFD800  }
0x1a: {  	s17 =	simm.s32 $0x0;
	[bflag:$0x0] =	sbarrier.arrive $0xFFFF  }
0x1b: {  	[tilespmem:s14], [sflag:$0x1] =	stream.indirect.gather [hbm4b:s4+s13], $0x80, s17, s13, $0xb8;
	[tilespmem:$0x1CC00] =	vst v63  }
0x1c: {  	_ =	swait.ge [sflag:s11], $0x3E80  }
0x1d: {  	[sflag:s11] =	ssyncset.done $0x0  }
0x1e: {  	s31 =	simm.s32 $0x2800;
	[sflag:s11] =	ssyncadd.s32 $0xFFFFC180  }
0x1f: {  	[spmem:s2] =	stream.indirect.scatter.add.f32 [tilespmem:s14], [sflag:$0x1], $0x80, s31, s13, $0xb8;
	[tilespmem:$0x1CC00] =	vst v63  }
0x20: {  	_ =	swait.ge [sflag:s11], $0x3E80  }
0x21: {  	s18 =	simm.s32 $0x400;
	s17 =	simm.s32 $0x200;
	[sflag:s11] =	ssyncset.done $0x0  }
.LBB2_2:
0x22: {  	s19 =	sshra.s32 s17, $0x2  }
0x23: {  	[sflag:s11] =	ssyncadd.s32 $0xFFFFC180;
	s17 =	smov.u32 s18;
	s20 =	sadd.s32 $0x200, s18  }
0x24: {  	[tilespmem:s14], [sflag:$0x1] =	stream.indirect.gather [hbm4b:s4+s13], $0x80, s19, s13, $0xb8;
	[tilespmem:$0x1CC00] =	vst v63  }
0x25: {  	p0 =	sne.s32 s18, $0x9E00;
	_ =	swait.ge [sflag:s11], $0x3E80  }
.Ltmp0:
0x26: {  	[sflag:s11] =	ssyncset.done $0x0;
	(pc) =	sbr.rel @p0 .LBB2_2-.Ltmp0, $4  }
0x27: {  	s18 =	sadd.s32 $0x2800, s19;
	[sflag:s11] =	ssyncadd.s32 $0xFFFFC180  }
0x28: {  	[spmem:s2] =	stream.indirect.scatter.add.f32 [tilespmem:s14], [sflag:$0x1], $0x80, s18, s13, $0xb8;
	[tilespmem:$0x1CC00] =	vst v63  }
0x29: {  	_ =	swait.ge [sflag:s11], $0x3E80  }
0x2a: {  	s18 =	smov.u32 s20;
	[sflag:s11] =	ssyncset.done $0x0  }
0x2b: {  	s17 =	sshra.s32 s17, $0x2;
	[sflag:s11] =	ssyncadd.s32 $0xFFFFC180  }
0x2c: {  	[tilespmem:s14], [sflag:$0x1] =	stream.indirect.gather [hbm4b:s4+s13], $0x80, s17, s13, $0xb8;
	[tilespmem:$0x1CC00] =	vst v63  }
0x2d: {  	_ =	swait.ge [sflag:s11], $0x3E80  }
0x2e: {  	[sflag:s11] =	ssyncset.done $0x0  }
0x2f: {  	s17 =	sadd.s32 $0x2800, s17;
	[sflag:s11] =	ssyncadd.s32 $0xFFFFC180  }
0x30: {  	[spmem:s2] =	stream.indirect.scatter.add.f32 [tilespmem:s14], [sflag:$0x1], $0x80, s17, s13, $0xb8;
	[tilespmem:$0x1CC00] =	vst v63  }
0x31: {  	_ =	swait.ge [sflag:s11], $0x3E80  }
0x32: {  	s16 =	sadd.s32 $0x1, s16;
	[sflag:s11] =	ssyncset.done $0x0  }
0x33: {  	p0 =	sne.s32 s16, s9;
	[sflag:s11] =	ssyncadd.s32 $0xFFFFC180  }
.Ltmp1:
0x34: {  	[bflag:$0x0] =	sbarrier.arrive $0xFFFF;
	(pc) =	sbr.rel @p0 .LBB2_1-.Ltmp1, $4  }
0x35: {  	[hbm:s15], [sflag:s6] =	dma.local [spmem:s10], $0x2780  }
0x36: {  	_ =	swait.ge [sflag:s11], $0x2780  }
0x37: {  	[sflag:s11] =	ssyncset.done $0x0  }
0x38: {  	[sflag:s11] =	ssyncadd.s32 $0xFFFFD880  }
0x39: {  	_ =	sfence.sel $0x180000  }
0x3a: {  	[bflag:$0x0] =	sbarrier.arrive $0xFFFF  }
0x3b: {  	p0 =	sne.s32 s1, $0x0;
	_ =	strace $0x9000004A  }
0x3c: {  	s0 =	sadd.s32 @!p0 $0x100000, s0;
	[bflag:$0x2] =	sbarrier.arrive $0xFFFF  }
0x3d: {  	[sflag:s0] =	ssyncadd.tile.s32 @!p0 $0x1;
	_ =	shalt  }
.Lfunc_end2:
_tile_overlayer_lowered:
.L_overlay_start_2:
0x3e: {  	(tag) =	ssettag $0x2  }
0x3f: {  	s0 =	rddreg [dreg:$0x0];
	s2 =	stileid.u32  }
0x40: {  	s1 =	rddreg [dreg:$0x1];
	p0 =	sne.s32 s2, $0x0  }
0x41: {  	s3 =	rddreg [dreg:$0x2];
	[bflag:$0x3] =	sbarrier.arrive $0xFFFF;
	s2 =	simm.s32 @!p0 $0x1C01  }
0x42: {  	[timem:s3], [sflag:s2] =	dma.local @!p0 [hbm:s0], s1  }
0x43: {  	s0 =	simm.s32 @!p0 $0x1  }
0x44: {  	_ =	swait.ge @!p0 [sflag:s0], s1  }
0x45: {  	s1 =	ssub.s32 @!p0 $0x0, s1;
	[sflag:s0] =	ssyncset.done @!p0 $0x0  }
0x46: {  	[sflag:s0] =	ssyncadd.s32 @!p0 s1  }
0x47: {  	[bflag:$0x3] =	sbarrier.arrive $0xFFFF  }
0x48: {  	_ =	shalt  }

// kernel: kernel.9.cloned.1.call-start
scs
__scs_entry_jumppad:
0x0: {  	(pc) =	sbr.rel $0x88, $3  }
0x1: {  	(tag) =	ssettag $0x0;
	lr =	simm.s32 $0x1  }
0x2: {  	[smem:$0x3F95] =	sst lr;
	_ =	strace $0xD0000000  }
0x3: {  	_ = 	snop  }
0x4: {  	_ = 	snop  }
0x5: {  	_ = 	snop  }
0x6: {  	_ = 	snop  }
0x7: {  	_ = 	snop  }
__scs_overlays_trampoline_lowered:
0x8: {  	[smem:$0x3FA4] =	sst s0  }
0x9: {  	[smem:$0x3FA5] =	sst s1  }
0xa: {  	[smem:$0x3FA6] =	sst s2  }
0xb: {  	[smem:$0x3FA7] =	sst s3  }
0xc: {  	[smem:$0x3FA8] =	sst s4  }
0xd: {  	[smem:$0x3FA9] =	sst s5  }
0xe: {  	[smem:$0x3FAA] =	sst s6  }
0xf: {  	[smem:$0x3FAB] =	sst s7  }
0x10: {  	[smem:$0x3FAC] =	sst s8  }
0x11: {  	[smem:$0x3FAD] =	sst s9;
	s0 =	simm.s32 @!p0 $0x0  }
0x12: {  	s1 =	sld [smem:$0x3F93];
	s0 =	simm.s32 @p0 $0x1  }
0x13: {  	[smem:$0x3FAE] =	sst s0;
	s0 =	simm.s32 @!p1 $0x0  }
0x14: {  	s2 =	sld [smem:$0x3F92];
	s0 =	simm.s32 @p1 $0x1  }
0x15: {  	[smem:$0x3FAF] =	sst s0;
	s0 =	simm.s32 @!p2 $0x0  }
0x16: {  	s3 =	sld [smem:$0x3FDB];
	s0 =	simm.s32 @p2 $0x1  }
0x17: {  	s4 =	simm.s32 $0x1BF5;
	[smem:$0x3FB1] =	sst s0  }
0x18: {  	s0 =	sld [smem:$0x3F94];
	_ =	swait.ge [sflag:s4], $0x0  }
0x19: {  	s7 =	sld [smem:$0x3F95]  }
0x1a: {  	s8 =	sadd.s32 $0xFFFFE003, lr  }
0x1b: {  	s9 =	sadd.s32 $0xFFFFFEF7, lr;
	s5 =	simm.s32 $0xFFFFFFFF;
	p2 =	slt.u32 s8, $0xFFFFF086  }
0x1c: {  	p1 =	slt.u32 s9, $0xF7A;
	s5 =	simm.s32 @!p2 $0x0  }
0x1d: {  	s5 =	simm.s32 @p1 $0x1;
	p0 =	seq.s32 s7, s2  }
0x1e: {  	s7 =	smul.u32 @!p0 $0xF7A, s2;
	p2 =	seq.s32 @!p0 s5, $0x0  }
0x1f: {  	s9 =	smul.u32 $0xF7A, s1;
	s8 =	simm.s32 @!p0 $0x1BF5;
	p2 =	por !p2, p0  }
0x20: {  	[sflag:s8] =	ssyncset.s32 @!p0 $0xFFFFF086;
	s6 =	sadd.s32 @!p0 s3, s7;
	s7 =	simm.s32 @!p0 $0x108  }
0x21: {  	s3 =	sadd.s32 s3, s9;
	s6 =	sadd.s32 @!p0 $0x88, s6;
	s7 =	simm.s32 @p2 $0x1082  }
0x22: {  	[simem:s7], [sflag:s8] =	dma.local @!p0 [hbm:s6], $0xF7A  }
0x23: {  	s9 =	sor.u32 $0xD0000000, s2;
	s6 =	simm.s32 $0x108;
	_ =	swait.ge @!p0 [sflag:s8], $0x0  }
0x24: {  	s3 =	sadd.s32 $0x88, s3;
	s6 =	simm.s32 @!p1 $0x1082;
	[sflag:s4] =	ssyncset.s32 $0xFFFFF086  }
0x25: {  	[simem:s6], [sflag:s4] =	dma.local [hbm:s3], $0xF7A  }
0x26: {  	[smem:$0x3F95] =	sst s1;
	(tag) =	ssettag s2;
	_ =	strace s9  }
0x27: {  	s1 =	sld [smem:$0x3FA5]  }
0x28: {  	s2 =	sld [smem:$0x3FA6]  }
0x29: {  	s4 =	sld [smem:$0x3FA8]  }
0x2a: {  	p0 =	seq.s32 s5, $0x0;
	s5 =	sld [smem:$0x3FA9]  }
0x2b: {  	s6 =	sld [smem:$0x3FAA]  }
0x2c: {  	s7 =	sld [smem:$0x3FAB]  }
0x2d: {  	s3 =	simm.s32 $0x108;
	s8 =	sld [smem:$0x3FAC]  }
0x2e: {  	s3 =	simm.s32 @!p0 $0x1082;
	s9 =	sld [smem:$0x3FAD]  }
0x2f: {  	lr =	sadd.s32 s0, s3;
	s0 =	sld [smem:$0x3FA4]  }
0x30: {  	s3 =	sld [smem:$0x3FA7]  }
0x31: {  	[smem:$0x3FB0] =	sst s10  }
0x32: {  	s10 =	sld [smem:$0x3FAE];
	_ =	sdelay $0x3  }
0x33: {  	p0 =	seq.s32 s10, $0x1;
	s10 =	sld [smem:$0x3FB0];
	_ =	sdelay $0x3  }
0x34: {  	[smem:$0x3FB0] =	sst s10  }
0x35: {  	s10 =	sld [smem:$0x3FAF];
	_ =	sdelay $0x3  }
0x36: {  	p1 =	seq.s32 s10, $0x1;
	s10 =	sld [smem:$0x3FB0];
	_ =	sdelay $0x3  }
0x37: {  	[smem:$0x3FB0] =	sst s10  }
0x38: {  	s10 =	sld [smem:$0x3FB1]  }
0x39: {  	_ = 	snop;
	(pc) =	sbr.ind lr, $3  }
0x3a: {  	_ = 	snop  }
0x3b: {  	_ = 	snop  }
0x3c: {  	p2 =	seq.s32 s10, $0x1;
	s10 =	sld [smem:$0x3FB0]  }
0x3d: {  	_ =	shalt  }
0x3e: {  	_ =	shalt  }
0x3f: {  	_ =	shalt  }
0x40: {  	_ =	shalt  }
0x41: {  	_ =	shalt  }
0x42: {  	_ =	shalt  }
0x43: {  	_ =	shalt  }
0x44: {  	_ =	shalt  }
0x45: {  	_ =	shalt  }
0x46: {  	_ =	shalt  }
0x47: {  	_ =	shalt  }
0x48: {  	_ =	shalt  }
0x49: {  	_ =	shalt  }
0x4a: {  	_ =	shalt  }
0x4b: {  	_ =	shalt  }
0x4c: {  	_ =	shalt  }
0x4d: {  	_ =	shalt  }
0x4e: {  	_ =	shalt  }
0x4f: {  	_ =	shalt  }
0x50: {  	_ =	shalt  }
0x51: {  	_ =	shalt  }
0x52: {  	_ =	shalt  }
0x53: {  	_ =	shalt  }
0x54: {  	_ =	shalt  }
0x55: {  	_ =	shalt  }
0x56: {  	_ =	shalt  }
0x57: {  	_ =	shalt  }
0x58: {  	_ =	shalt  }
0x59: {  	_ =	shalt  }
0x5a: {  	_ =	shalt  }
0x5b: {  	_ =	shalt  }
0x5c: {  	_ =	shalt  }
0x5d: {  	_ =	shalt  }
0x5e: {  	_ =	shalt  }
0x5f: {  	_ =	shalt  }
0x60: {  	_ =	shalt  }
0x61: {  	_ =	shalt  }
0x62: {  	_ =	shalt  }
0x63: {  	_ =	shalt  }
0x64: {  	_ =	shalt  }
0x65: {  	_ =	shalt  }
0x66: {  	_ =	shalt  }
0x67: {  	_ =	shalt  }
0x68: {  	_ =	shalt  }
0x69: {  	_ =	shalt  }
0x6a: {  	_ =	shalt  }
0x6b: {  	_ =	shalt  }
0x6c: {  	_ =	shalt  }
0x6d: {  	_ =	shalt  }
0x6e: {  	_ =	shalt  }
0x6f: {  	_ =	shalt  }
0x70: {  	_ =	shalt  }
0x71: {  	_ =	shalt  }
0x72: {  	_ =	shalt  }
0x73: {  	_ =	shalt  }
0x74: {  	_ =	shalt  }
0x75: {  	_ =	shalt  }
0x76: {  	_ =	shalt  }
0x77: {  	_ =	shalt  }
0x78: {  	_ =	shalt  }
0x79: {  	_ =	shalt  }
0x7a: {  	_ =	shalt  }
0x7b: {  	_ =	shalt  }
0x7c: {  	_ =	shalt  }
0x7d: {  	_ =	shalt  }
0x7e: {  	_ =	shalt  }
0x7f: {  	_ =	shalt  }
0x80: {  	_ =	shalt  }
0x81: {  	_ =	shalt  }
0x82: {  	_ =	shalt  }
0x83: {  	_ =	shalt  }
0x84: {  	_ =	shalt  }
0x85: {  	_ =	shalt  }
0x86: {  	_ =	shalt  }
0x87: {  	_ =	shalt  }
.Lfunc_end0:
.L_simem_size_0:
called_computation_lowered:
.L_overlay_start_0:
0x88: {  	s2 =	sld [smem:$0x3FD9]  }
0x89: {  	s3 =	sld [smem:$0x3FFE];
	_ =	sdelay $0x1  }
0x8a: {  	s1 =	srdreg.scid  }
0x8b: {  	s0 =	sand.u32 $0x1, s1  }
0x8c: {  	s16 =	sshll.u32 s0, $0xA;
	s2 =	sadd.s32 s3, s2  }
0x8d: {  	s2 =	sadd.s32 s2, s16  }
0x8e: {  	[smem:$0x3FBC] =	sst s2  }
0x8f: {  	_ = 	snop  }
0x90: {  	(tm) =	ssettm $0x1  }
0x91: {  	s17 =	sld [smem:$0x3FFB];
	_ =	sdelay $0x3  }
0x92: {  	_ =	strace s17  }
0x93: {  	s2 =	sld [smem:$0x3FFC];
	_ =	sdelay $0x3  }
0x94: {  	_ =	strace s2  }
0x95: {  	s2 =	sld [smem:$0x3FFD];
	_ =	sdelay $0x3  }
0x96: {  	_ =	strace s2  }
0x97: {  	_ =	strace $0x8FFFFFFF  }
0x98: {  	s18 =	sld [smem:$0x3FDB];
	_ =	sdelay $0x1  }
0x99: {  	s19 =	simm.s32 $_scs_section_size  }
0x9a: {  	s4 =	simm.s32 $_size__tile_overlayer_lowered;
	s5 =	simm.s32 $_tile_overlayer_lowered  }
0x9b: {  	s22 =	simm.s32 $0x1BFF;
	s21 =	sshll.u32 s5, $0x1;
	s2 =	sadd.s32 s19, s18  }
0x9c: {  	s6 =	simm.s32 $0x0;
	s20 =	sshll.u32 s4, $0x1;
	s4 =	sadd.s32 s21, s2  }
0x9d: {  	[timem:s6], [sflag:s22] =	dma.local [hbm:s4], s20  }
0x9e: {  	_ =	swait.ge [sflag:s22], s20  }
0x9f: {  	s3 =	ssub.s32 $0x0, s20;
	[sflag:s22] =	ssyncset.done $0x0  }
0xa0: {  	[sflag:s22] =	ssyncadd.s32 s3;
	_ =	sdelay $0x1  }
0xa1: {  	s23 =	simm.s32 $0x1B8B  }
0xa2: {  	_ =	swait.ge [sflag:s23], $0x1  }
0xa3: {  	[sflag:s23] =	ssyncset.done $0x0  }
0xa4: {  	s25 =	simm.s32 $0x1B8E;
	s24 =	sld [smem:$0x3FFE];
	[sflag:s23] =	ssyncadd.s32 $0xFFFFFFFF  }
0xa5: {  	s26 =	simm.s32 $execute0_lowered;
	[smem:$0x3FD2] =	sst s25  }
0xa6: {  	s4 =	sshll.u32 s26, $0x1;
	_ =	strace $0x80000046;
	[dreg:$0x1] =	wrdreg $0xFFFFFFFF  }
0xa7: {  	s28 =	simm.s32 $_size_execute0_lowered;
	s2 =	sadd.s32 s2, s4;
	[dreg:$0x0] =	wrdreg $0x0  }
0xa8: {  	s4 =	sshll.u32 s28, $0x1;
	[dreg:$0x2] =	wrdreg s2  }
0xa9: {  	[dreg:$0x3] =	wrdreg s4  }
0xaa: {  	[dreg:$0x4] =	wrdreg $0xC0  }
0xab: {  	_ =	task [dreg:s6], $0x5FFFF  }
0xac: {  	[dreg:$0x1] =	wrdreg $0xFFFFFFFF  }
0xad: {  	[dreg:$0x0] =	wrdreg $0x60  }
0xae: {  	[dreg:$0x2] =	wrdreg s24  }
0xaf: {  	[dreg:$0x3] =	wrdreg $0x90000  }
0xb0: {  	[dreg:$0x4] =	wrdreg $0x9  }
0xb1: {  	_ =	task.clear_ibuf [dreg:s6], $0x5FFFF;
	_ =	strace $0x90000046  }
0xb2: {  	s29 =	simm.s32 $0x9;
	_ =	strace $0x80000048  }
0xb3: {  	_ =	swait.ge [sflag:s29], $0x1  }
0xb4: {  	[sflag:s29] =	ssyncadd.s32 $0xFFFFFFFF  }
0xb5: {  	_ =	strace $0x90000048  }
0xb6: {  	_ =	sfence  }
0xb7: {  	s30 =	sld [smem:$0x0];
	_ =	sdelay $0x2  }
0xb8: {  	s31 =	sshll.u32 s1, $0xD;
	s1 =	sshrl.u32 s1, $0x2  }
0xb9: {  	s3 =	sand.u32 $0x4000, s31;
	s1 =	sadd.s32 s1, s30  }
0xba: {  	s0 =	sor.u32 s3, s0;
	s1 =	sshll.u32 s1, $0x11  }
0xbb: {  	s0 =	sor.u32 s1, s0  }
0xbc: {  	s0 =	sadd.s32 $0x8F2B, s0  }
0xbd: {  	[sflag:s0] =	ssyncadd.remote.s32 $0x1  }
0xbe: {  	_ =	sfence.sel $0xFFFF  }
0xbf: {  	[dreg:$0x0] =	wrdreg $0xFFFFFFFF;
	(pc) =	sbr.abs _section_cstart, $3  }
0xc0: {  	[dreg:$0x1] =	wrdreg $0xFFFFFFFF  }
0xc1: {  	_ =	task.clear_ibuf [dreg:s6], $0x2FFFF;
	_ =	strace $0x9FFFFFFF  }
0xc2: {  	(tm) =	ssettm $0x7FFFFFFF  }
0xc3: {  	_ =	shalt  }
tec
execute0_lowered:
.L_overlay_start_1:
0x0: {  	(tag) =	ssettag $0x1  }
0x1: {  	s0 =	srdreg.scid;
	s6 =	rddreg [dreg:$0x0]  }
0x2: {  	s2 =	rddreg [dreg:$0x1];
	s1 =	stileid.u32  }
0x3: {  	s3 =	simm.s32 $0x0;
	s7 =	sand.u32 $0x1, s0;
	s0 =	rddreg [dreg:$0x2]  }
0x4: {  	s14 =	simm.s32 $0x5000;
	[smem:$0x7FF] =	sst s3;
	s10 =	smul.u32 $0x4F000, s1  }
0x5: {  	s31 =	sshll.u32 s1, $0x6;
	s16 =	smul.u32 $0x2780, s1;
	s4 =	sshll.u32 s7, $0x4  }
0x6: {  	_ =	strace $0x80000047;
	s8 =	smul.u32 $0x27800, s7;
	s29 =	ssub.s32 $0x2, s7  }
0x7: {  	s4 =	sor.u32 s1, s4;
	s7 =	sshrl.u32 s29, $0x1;
	s30 =	sshrl.u32 s10, $0x2  }
0x8: {  	s5 =	smul.u32 $0x500, s4;
	s4 =	sadd.s32 $0x15A00, s6;
	s11 =	sadd.s32 s8, s6  }
0x9: {  	s12 =	ssub.s32 s29, s7;
	s13 =	sadd.s32 s30, s2;
	s15 =	sadd.s32 $0x3F400, s11  }
0xa: {  	s10 =	sshrl.u32 s13, $0x3;
	s11 =	simm.s32 $0x1;
	s13 =	simm.s32 $0x7D  }
0xb: {  	s9 =	sadd.s32 s5, s6;
	s5 =	sadd.s32 $0x3CC00, s6;
	s6 =	sor.u32 $0x1C01, s31  }
0xc: {  	s15 =	sadd.s32 s16, s15;
	s16 =	simm.s32 $0x0;
	s7 =	sadd.s32 $0x1A00, s9  }
0xd: {  	s8 =	sadd.s32 $0xBA00, s9;
	s9 =	smax.u32 s12, $0x1;
	s12 =	simm.s32 $0x2800  }
.LBB2_1:
0xe: {  	[spmem:s10], [sflag:s6] =	dma.local [hbm:s5], $0x2780  }
0xf: {  	_ =	swait.ge [sflag:s11], $0x2780  }
0x10: {  	[sflag:s11] =	ssyncset.done $0x0  }
0x11: {  	[sflag:s11] =	ssyncadd.s32 $0xFFFFD880  }
0x12: {  	[tilespmem:s3], [sflag:$0x1] =	stream.linear.gather [hbm4b:s7+s3], $0x2800, $0x38;
	[tilespmem:$0x1CC00] =	vst v63  }
0x13: {  	_ =	swait.ge [sflag:s11], $0x2800  }
0x14: {  	[sflag:s11] =	ssyncset.done $0x0  }
0x15: {  	[sflag:s11] =	ssyncadd.s32 $0xFFFFD800  }
0x16: {  	[tilespmem:s12], [sflag:$0x1] =	stream.linear.gather [hbm4b:s8+s3], $0x2800, $0x38;
	[tilespmem:$0x1CC00] =	vst v63  }
0x17: {  	_ =	swait.ge [sflag:s11], $0x2800  }
0x18: {  	[sflag:s11] =	ssyncset.done $0x0  }
0x19: {  	[sflag:s11] =	ssyncadd.s32 $0xFFFFD800  }
0x1a: {  	s17 =	simm.s32 $0x0;
	[bflag:$0x0] =	sbarrier.arrive $0xFFFF  }
0x1b: {  	[tilespmem:s14], [sflag:$0x1] =	stream.indirect.gather [hbm4b:s4+s13], $0x80, s17, s13, $0xb8;
	[tilespmem:$0x1CC00] =	vst v63  }
0x1c: {  	_ =	swait.ge [sflag:s11], $0x3E80  }
0x1d: {  	[sflag:s11] =	ssyncset.done $0x0  }
0x1e: {  	s31 =	simm.s32 $0x2800;
	[sflag:s11] =	ssyncadd.s32 $0xFFFFC180  }
0x1f: {  	[spmem:s2] =	stream.indirect.scatter.add.f32 [tilespmem:s14], [sflag:$0x1], $0x80, s31, s13, $0xb8;
	[tilespmem:$0x1CC00] =	vst v63  }
0x20: {  	_ =	swait.ge [sflag:s11], $0x3E80  }
0x21: {  	s18 =	simm.s32 $0x400;
	s17 =	simm.s32 $0x200;
	[sflag:s11] =	ssyncset.done $0x0  }
.LBB2_2:
0x22: {  	s19 =	sshra.s32 s17, $0x2  }
0x23: {  	[sflag:s11] =	ssyncadd.s32 $0xFFFFC180;
	s17 =	smov.u32 s18;
	s20 =	sadd.s32 $0x200, s18  }
0x24: {  	[tilespmem:s14], [sflag:$0x1] =	stream.indirect.gather [hbm4b:s4+s13], $0x80, s19, s13, $0xb8;
	[tilespmem:$0x1CC00] =	vst v63  }
0x25: {  	p0 =	sne.s32 s18, $0x9E00;
	_ =	swait.ge [sflag:s11], $0x3E80  }
.Ltmp0:
0x26: {  	[sflag:s11] =	ssyncset.done $0x0;
	(pc) =	sbr.rel @p0 .LBB2_2-.Ltmp0, $4  }
0x27: {  	s18 =	sadd.s32 $0x2800, s19;
	[sflag:s11] =	ssyncadd.s32 $0xFFFFC180  }
0x28: {  	[spmem:s2] =	stream.indirect.scatter.add.f32 [tilespmem:s14], [sflag:$0x1], $0x80, s18, s13, $0xb8;
	[tilespmem:$0x1CC00] =	vst v63  }
0x29: {  	_ =	swait.ge [sflag:s11], $0x3E80  }
0x2a: {  	s18 =	smov.u32 s20;
	[sflag:s11] =	ssyncset.done $0x0  }
0x2b: {  	s17 =	sshra.s32 s17, $0x2;
	[sflag:s11] =	ssyncadd.s32 $0xFFFFC180  }
0x2c: {  	[tilespmem:s14], [sflag:$0x1] =	stream.indirect.gather [hbm4b:s4+s13], $0x80, s17, s13, $0xb8;
	[tilespmem:$0x1CC00] =	vst v63  }
0x2d: {  	_ =	swait.ge [sflag:s11], $0x3E80  }
0x2e: {  	[sflag:s11] =	ssyncset.done $0x0  }
0x2f: {  	s17 =	sadd.s32 $0x2800, s17;
	[sflag:s11] =	ssyncadd.s32 $0xFFFFC180  }
0x30: {  	[spmem:s2] =	stream.indirect.scatter.add.f32 [tilespmem:s14], [sflag:$0x1], $0x80, s17, s13, $0xb8;
	[tilespmem:$0x1CC00] =	vst v63  }
0x31: {  	_ =	swait.ge [sflag:s11], $0x3E80  }
0x32: {  	s16 =	sadd.s32 $0x1, s16;
	[sflag:s11] =	ssyncset.done $0x0  }
0x33: {  	p0 =	sne.s32 s16, s9;
	[sflag:s11] =	ssyncadd.s32 $0xFFFFC180  }
.Ltmp1:
0x34: {  	[bflag:$0x0] =	sbarrier.arrive $0xFFFF;
	(pc) =	sbr.rel @p0 .LBB2_1-.Ltmp1, $4  }
0x35: {  	[hbm:s15], [sflag:s6] =	dma.local [spmem:s10], $0x2780  }
0x36: {  	_ =	swait.ge [sflag:s11], $0x2780  }
0x37: {  	[sflag:s11] =	ssyncset.done $0x0  }
0x38: {  	[sflag:s11] =	ssyncadd.s32 $0xFFFFD880  }
0x39: {  	_ =	sfence.sel $0x180000  }
0x3a: {  	[bflag:$0x0] =	sbarrier.arrive $0xFFFF  }
0x3b: {  	p0 =	sne.s32 s1, $0x0;
	_ =	strace $0x90000047  }
0x3c: {  	s0 =	sadd.s32 @!p0 $0x100000, s0;
	[bflag:$0x2] =	sbarrier.arrive $0xFFFF  }
0x3d: {  	[sflag:s0] =	ssyncadd.tile.s32 @!p0 $0x1;
	_ =	shalt  }
.Lfunc_end2:
_tile_overlayer_lowered:
.L_overlay_start_2:
0x3e: {  	(tag) =	ssettag $0x2  }
0x3f: {  	s0 =	rddreg [dreg:$0x0];
	s2 =	stileid.u32  }
0x40: {  	s1 =	rddreg [dreg:$0x1];
	p0 =	sne.s32 s2, $0x0  }
0x41: {  	s3 =	rddreg [dreg:$0x2];
	[bflag:$0x3] =	sbarrier.arrive $0xFFFF;
	s2 =	simm.s32 @!p0 $0x1C01  }
0x42: {  	[timem:s3], [sflag:s2] =	dma.local @!p0 [hbm:s0], s1  }
0x43: {  	s0 =	simm.s32 @!p0 $0x1  }
0x44: {  	_ =	swait.ge @!p0 [sflag:s0], s1  }
0x45: {  	s1 =	ssub.s32 @!p0 $0x0, s1;
	[sflag:s0] =	ssyncset.done @!p0 $0x0  }
0x46: {  	[sflag:s0] =	ssyncadd.s32 @!p0 s1  }
0x47: {  	[bflag:$0x3] =	sbarrier.arrive $0xFFFF  }
0x48: {  	_ =	shalt  }

</sc_bundles>
